<compile_context>
chip_gen: v7x
topology: tpu7x:2x2x1
jax: 0.10.2.dev20260603
libtpu: 0.0.44.dev20260713+nightly
codegen_flags: <defaults>
</compile_context>

<pallas_src>
import jax
import jax.numpy as jnp
from jax import lax
from jax.experimental import pallas as pl
from jax.experimental.pallas import tpu as pltpu
from jax.experimental.pallas import tpu_sc as plsc

B, L = 4096, 200
V, D_IN, D_OUT = 100, 32, 16
N = B * L
VPAD = 128
TAB = VPAD * D_OUT

NC, NS = 2, 16
NW = NC * NS
BT = B // NW
LC = 16
CHUNK_STARTS = [i * LC for i in range(12)] + [L - LC]
OUT_W = 2 * NW * 8 * 128
S = TAB + 16
IDP = L + 1


def _table_kernel(emb_ref, gamma_ref, beta_ref, w_ref, b_ref, out_ref):
    x = emb_ref[...]
    mean = jnp.mean(x, axis=1, keepdims=True)
    xc = x - mean
    var = jnp.mean(xc * xc, axis=1, keepdims=True)
    xn = xc * lax.rsqrt(var + 1e-5)
    xn = xn * gamma_ref[...] + beta_ref[...]
    out_ref[...] = (
        jnp.dot(xn, w_ref[...], preferred_element_type=jnp.float32)
        + b_ref[...]
    )


def _fuse_table(emb_table, ln_gamma, ln_beta, W, b):
    emb_pad = jnp.zeros((VPAD, D_IN), jnp.float32).at[:V].set(emb_table)
    return pl.pallas_call(
        _table_kernel,
        out_shape=jax.ShapeDtypeStruct((VPAD, D_OUT), jnp.float32),
    )(
        emb_pad,
        ln_gamma.reshape(1, D_IN),
        ln_beta.reshape(1, D_IN),
        W,
        b.reshape(1, D_OUT),
    )


def _sc_gather_body(
    table_hbm, ids_hbm, out_hbm,
    tab_v, idx_v, buf00, buf01, buf10, buf11, sem0, sem1,
):
    wid = lax.axis_index("s") * NC + lax.axis_index("c")
    pltpu.sync_copy(table_hbm, tab_v)
    pltpu.sync_copy(
        ids_hbm.at[pl.ds(wid * BT, BT)], idx_v.at[:, pl.ds(0, L)]
    )

    iota = lax.iota(jnp.int32, 16)
    skew = iota * (S + 1)
    bufs = ((buf00, buf01), (buf10, buf11))
    sems = (sem0, sem1)
    n_chunks = len(CHUNK_STARTS)

    def chunk_body(ci, carry):
        par = lax.rem(ci, 2)
        l0 = jnp.minimum(ci * LC, L - LC)

        for p in (0, 1):
            @pl.when((par == p) & (ci >= 2))
            def _():
                for buf in bufs[p]:
                    pltpu.make_async_copy(
                        out_hbm.at[pl.ds(0, LC), pl.ds(0, 1024)], buf, sems[p]
                    ).wait()

        for p in (0, 1):
            @pl.when(par == p)
            def _():
                buf0, buf1 = bufs[p]

                @plsc.parallel_loop(0, LC * 8, step=1)
                def inner(i):
                    ll = lax.shift_right_logical(i, 3)
                    bl0 = lax.shift_left(lax.bitwise_and(i, 7), 4)
                    lv = jnp.full((16,), l0 + ll, jnp.int32)
                    idv = plsc.load_gather(idx_v, [iota + bl0, lv])
                    base = idv * 16
                    for c in range(D_OUT):
                        col = plsc.load_gather(tab_v, [base + (skew + c)])
                        buf = buf0 if c < 8 else buf1
                        buf[ll, pl.ds((c % 8) * 128 + bl0, 16)] = col

                for ct, buf in ((0, buf0), (1, buf1)):
                    pltpu.async_copy(
                        buf,
                        out_hbm.at[
                            pl.ds(l0, LC),
                            pl.ds(ct * (NW * 1024) + wid * 1024, 1024),
                        ],
                        sems[p],
                    )
        return carry

    lax.fori_loop(0, n_chunks, chunk_body, 0)
    for par in (0, 1):
        for buf in bufs[par]:
            pltpu.make_async_copy(
                out_hbm.at[pl.ds(0, LC), pl.ds(0, 1024)], buf, sems[par]
            ).wait()


def _sc_gather(table_skew, ids2d):
    mesh = plsc.VectorSubcoreMesh(core_axis_name="c", subcore_axis_name="s")
    run = pl.kernel(
        _sc_gather_body,
        out_type=jax.ShapeDtypeStruct((L, OUT_W), jnp.float32),
        mesh=mesh,
        scratch_types=[
            pltpu.VMEM((16 * S,), jnp.float32),
            pltpu.VMEM((BT, IDP), jnp.int32),
            pltpu.VMEM((LC, 1024), jnp.float32),
            pltpu.VMEM((LC, 1024), jnp.float32),
            pltpu.VMEM((LC, 1024), jnp.float32),
            pltpu.VMEM((LC, 1024), jnp.float32),
            pltpu.SemaphoreType.DMA,
            pltpu.SemaphoreType.DMA,
        ],
        compiler_params=pltpu.CompilerParams(
            use_tc_tiling_on_sc=False, needs_layout_passes=False
        ),
    )
    return run(table_skew, ids2d)


def kernel(input_ids, emb_table, ln_gamma, ln_beta, W, b):
    t2 = _fuse_table(emb_table, ln_gamma, ln_beta, W, b).reshape(TAB)
    table_skew = jnp.concatenate(
        [jnp.pad(t2, (k, S - TAB - k)) for k in range(16)]
    )
    ids2d = input_ids.astype(jnp.int32)
    out = _sc_gather(table_skew, ids2d)
    out = out.reshape(L, 2, NW, 8, BT)
    out = out.transpose(2, 4, 0, 1, 3)
    return out.reshape(B, L, D_OUT)

# --- scband reference (transcript-rebuilt; emitter-appended) ---
"""Pipeline reference for scband-simple-model-2645699854868 (READ-ONLY COPY).

The authoritative reference and input builder live on the scoring server;
editing this copy changes nothing except your own understanding.
"""

import jax, jax.numpy as jnp
import numpy as np


def setup_inputs(seed: int = 0) -> dict:
    key = jax.random.key(seed)
    k1, k2, k3, k4 = jax.random.split(key, 4)
    input_ids = jax.random.randint(k1, (4096, 200), 0, 100, dtype=jnp.int64 if jax.config.jax_enable_x64 else jnp.int32)
    emb_table = jax.random.normal(k2, (100, 32), dtype=jnp.float32)
    ln_gamma = jnp.ones((32,), dtype=jnp.float32)
    ln_beta = jnp.zeros((32,), dtype=jnp.float32)
    W = jax.random.normal(k3, (32, 16), dtype=jnp.float32) * (1.0 / np.sqrt(32.0))
    b = jax.random.normal(k4, (16,), dtype=jnp.float32) * 0.01
    return {"input_ids": input_ids, "emb_table": emb_table, "ln_gamma": ln_gamma, "ln_beta": ln_beta, "W": W, "b": b}


def reference(input_ids, emb_table, ln_gamma, ln_beta, W, b):
    # embedding lookup (gather)
    x = jnp.take(emb_table, input_ids, axis=0)  # [B, L, 32]
    # layer norm over last dim, eps=1e-5 (torch default)
    mean = jnp.mean(x, axis=-1, keepdims=True)
    var = jnp.var(x, axis=-1, keepdims=True)
    x = (x - mean) / jnp.sqrt(var + 1e-5)
    x = x * ln_gamma + ln_beta
    # linear 32 -> 16
    x = x @ W + b
    # dropout is identity in eval mode
    return x

if __name__ == "__main__":
    import jax
    _d = setup_inputs()
    print(jax.jit(kernel)(*tuple(_d.values())))

</pallas_src>

<mosaic_0001>
#map = affine_map<(d0, d1) -> (0)>
#map1 = affine_map<(d0, d1) -> (0, 0)>
module attributes {stable_mosaic.version = 14 : i64} {
  func.func @_sc_gather_body(%arg0: i32, %arg1: i32, %arg2: memref<33024xf32, #tpu.memory_space<hbm>>, %arg3: memref<4096x200xi32, #tpu.memory_space<hbm>>, %arg4: memref<200x65536xf32, #tpu.memory_space<hbm>>, %arg5: memref<33024xf32, #tpu.memory_space<vmem>>, %arg6: memref<128x201xi32, #tpu.memory_space<vmem>>, %arg7: memref<16x1024xf32, #tpu.memory_space<vmem>>, %arg8: memref<16x1024xf32, #tpu.memory_space<vmem>>, %arg9: memref<16x1024xf32, #tpu.memory_space<vmem>>, %arg10: memref<16x1024xf32, #tpu.memory_space<vmem>>, %arg11: memref<!tpu.dma_semaphore, #tpu.memory_space<semaphore_mem>>, %arg12: memref<!tpu.dma_semaphore, #tpu.memory_space<semaphore_mem>>) attributes {dimension_semantics = [#tpu.dimension_semantics<core_parallel>, #tpu.dimension_semantics<subcore_parallel>], iteration_bounds = array<i64: 2, 16>, scalar_prefetch = 0 : i64, scratch_operands = 8 : i64, tpu.core_type = #tpu.core_type<sc_vector_subcore>, window_params = [{transform_indices = #map}, {transform_indices = #map1}, {transform_indices = #map1}]} {
    %mul3A = arith.constant 2 : i32
    %mul3A_0 = arith.muli %arg1, %mul3A : i32
    %add3A = arith.addi %mul3A_0, %arg0 : i32
    "tpu.region"() ({
      %run_scoped3A = tpu.sem_alloc : memref<!tpu.dma_semaphore, #tpu.memory_space<semaphore_mem>>
      tpu.enqueue_dma source(%arg2 : memref<33024xf32, #tpu.memory_space<hbm>>) target(%arg5 : memref<33024xf32, #tpu.memory_space<vmem>>) target_semaphore(%run_scoped3A : memref<!tpu.dma_semaphore, #tpu.memory_space<semaphore_mem>>)
      tpu.wait_dma2 semaphore(%run_scoped3A : memref<!tpu.dma_semaphore, #tpu.memory_space<semaphore_mem>>) src(%arg2 : memref<33024xf32, #tpu.memory_space<hbm>>) dst(%arg5 : memref<33024xf32, #tpu.memory_space<vmem>>)
      tpu.yield
    }) : () -> ()
    %mul3A_1 = arith.constant 128 : i32
    %mul3A_2 = arith.muli %add3A, %mul3A_1 : i32
    "tpu.region"() ({
      %run_scoped3A = tpu.sem_alloc : memref<!tpu.dma_semaphore, #tpu.memory_space<semaphore_mem>>
      %dma_start3A = arith.constant 0 : i32
      %dma_start3A_34 = arith.constant 0 : i32
      %dma_start3A_35 = tpu.memref_slice %arg6[%dma_start3A, %dma_start3A_34] : memref<128x201xi32, #tpu.memory_space<vmem>> -> memref<128x200xi32, #tpu.memory_space<vmem>>
      %dma_start3A_36 = arith.constant 0 : i32
      %dma_start3A_37 = tpu.memref_slice %arg3[%mul3A_2, %dma_start3A_36] : memref<4096x200xi32, #tpu.memory_space<hbm>> -> memref<128x200xi32, #tpu.memory_space<hbm>>
      %dma_start3A_38 = arith.constant 0 : i32
      %dma_start3A_39 = arith.constant 0 : i32
      %dma_start3A_40 = tpu.memref_slice %arg6[%dma_start3A_38, %dma_start3A_39] : memref<128x201xi32, #tpu.memory_space<vmem>> -> memref<128x200xi32, #tpu.memory_space<vmem>>
      %dma_start3A_41 = arith.constant 0 : i32
      %dma_start3A_42 = tpu.memref_slice %arg3[%mul3A_2, %dma_start3A_41] : memref<4096x200xi32, #tpu.memory_space<hbm>> -> memref<128x200xi32, #tpu.memory_space<hbm>>
      tpu.enqueue_dma source(%dma_start3A_42 : memref<128x200xi32, #tpu.memory_space<hbm>>) target(%dma_start3A_40 : memref<128x200xi32, #tpu.memory_space<vmem>>) target_semaphore(%run_scoped3A : memref<!tpu.dma_semaphore, #tpu.memory_space<semaphore_mem>>)
      %dma_wait3A_43 = arith.constant 0 : i32
      %dma_wait3A_44 = arith.constant 0 : i32
      %dma_wait3A_45 = tpu.memref_slice %arg6[%dma_wait3A_43, %dma_wait3A_44] : memref<128x201xi32, #tpu.memory_space<vmem>> -> memref<128x200xi32, #tpu.memory_space<vmem>>
      %dma_wait3A_46 = arith.constant 0 : i32
      %dma_wait3A_47 = tpu.memref_slice %arg3[%mul3A_2, %dma_wait3A_46] : memref<4096x200xi32, #tpu.memory_space<hbm>> -> memref<128x200xi32, #tpu.memory_space<hbm>>
      %dma_wait3A_48 = arith.constant 0 : i32
      %dma_wait3A_49 = arith.constant 0 : i32
      %dma_wait3A_50 = tpu.memref_slice %arg6[%dma_wait3A_48, %dma_wait3A_49] : memref<128x201xi32, #tpu.memory_space<vmem>> -> memref<128x200xi32, #tpu.memory_space<vmem>>
      %dma_wait3A_51 = arith.constant 0 : i32
      %dma_wait3A_52 = tpu.memref_slice %arg3[%mul3A_2, %dma_wait3A_51] : memref<4096x200xi32, #tpu.memory_space<hbm>> -> memref<128x200xi32, #tpu.memory_space<hbm>>
      tpu.wait_dma2 semaphore(%run_scoped3A : memref<!tpu.dma_semaphore, #tpu.memory_space<semaphore_mem>>) src(%dma_wait3A_52 : memref<128x200xi32, #tpu.memory_space<hbm>>) dst(%dma_wait3A_50 : memref<128x200xi32, #tpu.memory_space<vmem>>)
      tpu.yield
    }) : () -> ()
    %iota3A = tpu.iota {dimensions = array<i32: 0>} : vector<16xi32>
    %mul3A_3 = arith.constant 2065 : i32
    %mul3A_4 = vector.broadcast %mul3A_3 : i32 to vector<16xi32>
    %mul3A_5 = arith.muli %iota3A, %mul3A_4 : vector<16xi32>
    %scan3A = arith.constant 0 : i32
    %scan3A_6 = arith.constant 0 : i32
    %scan3A_7 = arith.constant 13 : i32
    %scan3A_8 = arith.addi %scan3A_6, %scan3A_7 : i32
    %scan3A_9 = arith.constant 1 : i32
    scf.for %scan3A_34 = %scan3A_6 to %scan3A_8 step %scan3A_9  : i32 {
      %rem3A = arith.constant 2 : i32
      %rem3A_35 = arith.remsi %scan3A_34, %rem3A : i32
      %mul3A_36 = arith.constant 16 : i32
      %mul3A_37 = arith.muli %scan3A_34, %mul3A_36 : i32
      %min3A = arith.constant 184 : i32
      %min3A_38 = arith.minsi %mul3A_37, %min3A : i32
      %eq3A = arith.constant 0 : i32
      %eq3A_39 = arith.cmpi eq, %rem3A_35, %eq3A : i32
      %ge3A = arith.constant 2 : i32
      %ge3A_40 = arith.cmpi sge, %scan3A_34, %ge3A : i32
      %and3A = arith.andi %eq3A_39, %ge3A_40 : i1
      %convert_element_type3A = arith.extui %and3A : i1 to i32
      %cond3A = arith.constant 0 : i32
      %cond3A_41 = arith.cmpi ne, %convert_element_type3A, %cond3A : i32
      scf.if %cond3A_41 {
        %dma_wait3A_60 = arith.constant 0 : i32
        %dma_wait3A_61 = arith.constant 0 : i32
        %dma_wait3A_62 = tpu.memref_slice %arg4[%dma_wait3A_60, %dma_wait3A_61] : memref<200x65536xf32, #tpu.memory_space<hbm>> -> memref<16x1024xf32, #tpu.memory_space<hbm>>
        %dma_wait3A_63 = arith.constant 0 : i32
        %dma_wait3A_64 = arith.constant 0 : i32
        %dma_wait3A_65 = tpu.memref_slice %arg4[%dma_wait3A_63, %dma_wait3A_64] : memref<200x65536xf32, #tpu.memory_space<hbm>> -> memref<16x1024xf32, #tpu.memory_space<hbm>>
        tpu.wait_dma2 semaphore(%arg11 : memref<!tpu.dma_semaphore, #tpu.memory_space<semaphore_mem>>) src(%dma_wait3A_65 : memref<16x1024xf32, #tpu.memory_space<hbm>>) dst(%arg7 : memref<16x1024xf32, #tpu.memory_space<vmem>>)
        %dma_wait3A_66 = arith.constant 0 : i32
        %dma_wait3A_67 = arith.constant 0 : i32
        %dma_wait3A_68 = tpu.memref_slice %arg4[%dma_wait3A_66, %dma_wait3A_67] : memref<200x65536xf32, #tpu.memory_space<hbm>> -> memref<16x1024xf32, #tpu.memory_space<hbm>>
        %dma_wait3A_69 = arith.constant 0 : i32
        %dma_wait3A_70 = arith.constant 0 : i32
        %dma_wait3A_71 = tpu.memref_slice %arg4[%dma_wait3A_69, %dma_wait3A_70] : memref<200x65536xf32, #tpu.memory_space<hbm>> -> memref<16x1024xf32, #tpu.memory_space<hbm>>
        tpu.wait_dma2 semaphore(%arg11 : memref<!tpu.dma_semaphore, #tpu.memory_space<semaphore_mem>>) src(%dma_wait3A_71 : memref<16x1024xf32, #tpu.memory_space<hbm>>) dst(%arg8 : memref<16x1024xf32, #tpu.memory_space<vmem>>)
      } else {
      }
      %eq3A_42 = arith.constant 1 : i32
      %eq3A_43 = arith.cmpi eq, %rem3A_35, %eq3A_42 : i32
      %ge3A_44 = arith.constant 2 : i32
      %ge3A_45 = arith.cmpi sge, %scan3A_34, %ge3A_44 : i32
      %and3A_46 = arith.andi %eq3A_43, %ge3A_45 : i1
      %convert_element_type3A_47 = arith.extui %and3A_46 : i1 to i32
      %cond3A_48 = arith.constant 0 : i32
      %cond3A_49 = arith.cmpi ne, %convert_element_type3A_47, %cond3A_48 : i32
      scf.if %cond3A_49 {
        %dma_wait3A_60 = arith.constant 0 : i32
        %dma_wait3A_61 = arith.constant 0 : i32
        %dma_wait3A_62 = tpu.memref_slice %arg4[%dma_wait3A_60, %dma_wait3A_61] : memref<200x65536xf32, #tpu.memory_space<hbm>> -> memref<16x1024xf32, #tpu.memory_space<hbm>>
        %dma_wait3A_63 = arith.constant 0 : i32
        %dma_wait3A_64 = arith.constant 0 : i32
        %dma_wait3A_65 = tpu.memref_slice %arg4[%dma_wait3A_63, %dma_wait3A_64] : memref<200x65536xf32, #tpu.memory_space<hbm>> -> memref<16x1024xf32, #tpu.memory_space<hbm>>
        tpu.wait_dma2 semaphore(%arg12 : memref<!tpu.dma_semaphore, #tpu.memory_space<semaphore_mem>>) src(%dma_wait3A_65 : memref<16x1024xf32, #tpu.memory_space<hbm>>) dst(%arg9 : memref<16x1024xf32, #tpu.memory_space<vmem>>)
        %dma_wait3A_66 = arith.constant 0 : i32
        %dma_wait3A_67 = arith.constant 0 : i32
        %dma_wait3A_68 = tpu.memref_slice %arg4[%dma_wait3A_66, %dma_wait3A_67] : memref<200x65536xf32, #tpu.memory_space<hbm>> -> memref<16x1024xf32, #tpu.memory_space<hbm>>
        %dma_wait3A_69 = arith.constant 0 : i32
        %dma_wait3A_70 = arith.constant 0 : i32
        %dma_wait3A_71 = tpu.memref_slice %arg4[%dma_wait3A_69, %dma_wait3A_70] : memref<200x65536xf32, #tpu.memory_space<hbm>> -> memref<16x1024xf32, #tpu.memory_space<hbm>>
        tpu.wait_dma2 semaphore(%arg12 : memref<!tpu.dma_semaphore, #tpu.memory_space<semaphore_mem>>) src(%dma_wait3A_71 : memref<16x1024xf32, #tpu.memory_space<hbm>>) dst(%arg10 : memref<16x1024xf32, #tpu.memory_space<vmem>>)
      } else {
      }
      %eq3A_50 = arith.constant 0 : i32
      %eq3A_51 = arith.cmpi eq, %rem3A_35, %eq3A_50 : i32
      %convert_element_type3A_52 = arith.extui %eq3A_51 : i1 to i32
      %cond3A_53 = arith.constant 0 : i32
      %cond3A_54 = arith.cmpi ne, %convert_element_type3A_52, %cond3A_53 : i32
      scf.if %cond3A_54 {
        %parallel_loop3A = arith.constant 0 : i32
        %parallel_loop3A_60 = arith.constant 128 : i32
        %parallel_loop3A_61 = arith.constant 1 : i32
        scf.for %parallel_loop3A_73 = %parallel_loop3A to %parallel_loop3A_60 step %parallel_loop3A_61  : i32 {
          %parallel_loop3A_74 = arith.constant 3 : i32
          %parallel_loop3A_75 = arith.shrui %parallel_loop3A_73, %parallel_loop3A_74 : i32
          %parallel_loop3A_76 = arith.constant 7 : i32
          %parallel_loop3A_77 = arith.andi %parallel_loop3A_73, %parallel_loop3A_76 : i32
          %parallel_loop3A_78 = arith.constant 4 : i32
          %parallel_loop3A_79 = arith.shli %parallel_loop3A_77, %parallel_loop3A_78 : i32
          %parallel_loop3A_80 = arith.addi %min3A_38, %parallel_loop3A_75 : i32
          %parallel_loop3A_81 = vector.broadcast %parallel_loop3A_80 : i32 to vector<16xi32>
          %parallel_loop3A_82 = vector.broadcast %parallel_loop3A_79 : i32 to vector<16xi32>
          %parallel_loop3A_83 = arith.addi %iota3A, %parallel_loop3A_82 : vector<16xi32>
          %parallel_loop3A_84 = tpu.vector_load_idx %arg6[%parallel_loop3A_83, %parallel_loop3A_81] : memref<128x201xi32, #tpu.memory_space<vmem>>[vector<16xi32>, vector<16xi32>], vector<16xi32>,
          %parallel_loop3A_85 = arith.constant 16 : i32
          %parallel_loop3A_86 = vector.broadcast %parallel_loop3A_85 : i32 to vector<16xi32>
          %parallel_loop3A_87 = arith.muli %parallel_loop3A_84, %parallel_loop3A_86 : vector<16xi32>
          %parallel_loop3A_88 = arith.constant 0 : i32
          %parallel_loop3A_89 = vector.broadcast %parallel_loop3A_88 : i32 to vector<16xi32>
          %parallel_loop3A_90 = arith.addi %mul3A_5, %parallel_loop3A_89 : vector<16xi32>
          %parallel_loop3A_91 = arith.addi %parallel_loop3A_87, %parallel_loop3A_90 : vector<16xi32>
          %parallel_loop3A_92 = tpu.vector_load_idx %arg5[%parallel_loop3A_91] : memref<33024xf32, #tpu.memory_space<vmem>>[vector<16xi32>], vector<16xf32>,
          %parallel_loop3A_93 = arith.constant 0 : i32
          %parallel_loop3A_94 = arith.addi %parallel_loop3A_93, %parallel_loop3A_79 : i32
          %parallel_loop3A_95 = arith.index_cast %parallel_loop3A_75 : i32 to index
          %parallel_loop3A_96 = arith.index_cast %parallel_loop3A_94 : i32 to index
          %parallel_loop3A_97 = tpu.vector_load %arg7[%parallel_loop3A_95, %parallel_loop3A_96] {strides = array<i32>} : memref<16x1024xf32, #tpu.memory_space<vmem>>, vector<16xf32>,
          tpu.vector_store %arg7[%parallel_loop3A_95, %parallel_loop3A_96], %parallel_loop3A_92 {strides = array<i32>} : memref<16x1024xf32, #tpu.memory_space<vmem>>, vector<16xf32>,
          %parallel_loop3A_98 = arith.constant 1 : i32
          %parallel_loop3A_99 = vector.broadcast %parallel_loop3A_98 : i32 to vector<16xi32>
          %parallel_loop3A_100 = arith.addi %mul3A_5, %parallel_loop3A_99 : vector<16xi32>
          %parallel_loop3A_101 = arith.addi %parallel_loop3A_87, %parallel_loop3A_100 : vector<16xi32>
          %parallel_loop3A_102 = tpu.vector_load_idx %arg5[%parallel_loop3A_101] : memref<33024xf32, #tpu.memory_space<vmem>>[vector<16xi32>], vector<16xf32>,
          %parallel_loop3A_103 = arith.constant 128 : i32
          %parallel_loop3A_104 = arith.addi %parallel_loop3A_103, %parallel_loop3A_79 : i32
          %parallel_loop3A_105 = arith.index_cast %parallel_loop3A_75 : i32 to index
          %parallel_loop3A_106 = arith.index_cast %parallel_loop3A_104 : i32 to index
          %parallel_loop3A_107 = tpu.vector_load %arg7[%parallel_loop3A_105, %parallel_loop3A_106] {strides = array<i32>} : memref<16x1024xf32, #tpu.memory_space<vmem>>, vector<16xf32>,
          tpu.vector_store %arg7[%parallel_loop3A_105, %parallel_loop3A_106], %parallel_loop3A_102 {strides = array<i32>} : memref<16x1024xf32, #tpu.memory_space<vmem>>, vector<16xf32>,
          %parallel_loop3A_108 = arith.constant 2 : i32
          %parallel_loop3A_109 = vector.broadcast %parallel_loop3A_108 : i32 to vector<16xi32>
          %parallel_loop3A_110 = arith.addi %mul3A_5, %parallel_loop3A_109 : vector<16xi32>
          %parallel_loop3A_111 = arith.addi %parallel_loop3A_87, %parallel_loop3A_110 : vector<16xi32>
          %parallel_loop3A_112 = tpu.vector_load_idx %arg5[%parallel_loop3A_111] : memref<33024xf32, #tpu.memory_space<vmem>>[vector<16xi32>], vector<16xf32>,
          %parallel_loop3A_113 = arith.constant 256 : i32
          %parallel_loop3A_114 = arith.addi %parallel_loop3A_113, %parallel_loop3A_79 : i32
          %parallel_loop3A_115 = arith.index_cast %parallel_loop3A_75 : i32 to index
          %parallel_loop3A_116 = arith.index_cast %parallel_loop3A_114 : i32 to index
          %parallel_loop3A_117 = tpu.vector_load %arg7[%parallel_loop3A_115, %parallel_loop3A_116] {strides = array<i32>} : memref<16x1024xf32, #tpu.memory_space<vmem>>, vector<16xf32>,
          tpu.vector_store %arg7[%parallel_loop3A_115, %parallel_loop3A_116], %parallel_loop3A_112 {strides = array<i32>} : memref<16x1024xf32, #tpu.memory_space<vmem>>, vector<16xf32>,
          %parallel_loop3A_118 = arith.constant 3 : i32
          %parallel_loop3A_119 = vector.broadcast %parallel_loop3A_118 : i32 to vector<16xi32>
          %parallel_loop3A_120 = arith.addi %mul3A_5, %parallel_loop3A_119 : vector<16xi32>
          %parallel_loop3A_121 = arith.addi %parallel_loop3A_87, %parallel_loop3A_120 : vector<16xi32>
          %parallel_loop3A_122 = tpu.vector_load_idx %arg5[%parallel_loop3A_121] : memref<33024xf32, #tpu.memory_space<vmem>>[vector<16xi32>], vector<16xf32>,
          %parallel_loop3A_123 = arith.constant 384 : i32
          %parallel_loop3A_124 = arith.addi %parallel_loop3A_123, %parallel_loop3A_79 : i32
          %parallel_loop3A_125 = arith.index_cast %parallel_loop3A_75 : i32 to index
          %parallel_loop3A_126 = arith.index_cast %parallel_loop3A_124 : i32 to index
          %parallel_loop3A_127 = tpu.vector_load %arg7[%parallel_loop3A_125, %parallel_loop3A_126] {strides = array<i32>} : memref<16x1024xf32, #tpu.memory_space<vmem>>, vector<16xf32>,
          tpu.vector_store %arg7[%parallel_loop3A_125, %parallel_loop3A_126], %parallel_loop3A_122 {strides = array<i32>} : memref<16x1024xf32, #tpu.memory_space<vmem>>, vector<16xf32>,
          %parallel_loop3A_128 = arith.constant 4 : i32
          %parallel_loop3A_129 = vector.broadcast %parallel_loop3A_128 : i32 to vector<16xi32>
          %parallel_loop3A_130 = arith.addi %mul3A_5, %parallel_loop3A_129 : vector<16xi32>
          %parallel_loop3A_131 = arith.addi %parallel_loop3A_87, %parallel_loop3A_130 : vector<16xi32>
          %parallel_loop3A_132 = tpu.vector_load_idx %arg5[%parallel_loop3A_131] : memref<33024xf32, #tpu.memory_space<vmem>>[vector<16xi32>], vector<16xf32>,
          %parallel_loop3A_133 = arith.constant 512 : i32
          %parallel_loop3A_134 = arith.addi %parallel_loop3A_133, %parallel_loop3A_79 : i32
          %parallel_loop3A_135 = arith.index_cast %parallel_loop3A_75 : i32 to index
          %parallel_loop3A_136 = arith.index_cast %parallel_loop3A_134 : i32 to index
          %parallel_loop3A_137 = tpu.vector_load %arg7[%parallel_loop3A_135, %parallel_loop3A_136] {strides = array<i32>} : memref<16x1024xf32, #tpu.memory_space<vmem>>, vector<16xf32>,
          tpu.vector_store %arg7[%parallel_loop3A_135, %parallel_loop3A_136], %parallel_loop3A_132 {strides = array<i32>} : memref<16x1024xf32, #tpu.memory_space<vmem>>, vector<16xf32>,
          %parallel_loop3A_138 = arith.constant 5 : i32
          %parallel_loop3A_139 = vector.broadcast %parallel_loop3A_138 : i32 to vector<16xi32>
          %parallel_loop3A_140 = arith.addi %mul3A_5, %parallel_loop3A_139 : vector<16xi32>
          %parallel_loop3A_141 = arith.addi %parallel_loop3A_87, %parallel_loop3A_140 : vector<16xi32>
          %parallel_loop3A_142 = tpu.vector_load_idx %arg5[%parallel_loop3A_141] : memref<33024xf32, #tpu.memory_space<vmem>>[vector<16xi32>], vector<16xf32>,
          %parallel_loop3A_143 = arith.constant 640 : i32
          %parallel_loop3A_144 = arith.addi %parallel_loop3A_143, %parallel_loop3A_79 : i32
          %parallel_loop3A_145 = arith.index_cast %parallel_loop3A_75 : i32 to index
          %parallel_loop3A_146 = arith.index_cast %parallel_loop3A_144 : i32 to index
          %parallel_loop3A_147 = tpu.vector_load %arg7[%parallel_loop3A_145, %parallel_loop3A_146] {strides = array<i32>} : memref<16x1024xf32, #tpu.memory_space<vmem>>, vector<16xf32>,
          tpu.vector_store %arg7[%parallel_loop3A_145, %parallel_loop3A_146], %parallel_loop3A_142 {strides = array<i32>} : memref<16x1024xf32, #tpu.memory_space<vmem>>, vector<16xf32>,
          %parallel_loop3A_148 = arith.constant 6 : i32
          %parallel_loop3A_149 = vector.broadcast %parallel_loop3A_148 : i32 to vector<16xi32>
          %parallel_loop3A_150 = arith.addi %mul3A_5, %parallel_loop3A_149 : vector<16xi32>
          %parallel_loop3A_151 = arith.addi %parallel_loop3A_87, %parallel_loop3A_150 : vector<16xi32>
          %parallel_loop3A_152 = tpu.vector_load_idx %arg5[%parallel_loop3A_151] : memref<33024xf32, #tpu.memory_space<vmem>>[vector<16xi32>], vector<16xf32>,
          %parallel_loop3A_153 = arith.constant 768 : i32
          %parallel_loop3A_154 = arith.addi %parallel_loop3A_153, %parallel_loop3A_79 : i32
          %parallel_loop3A_155 = arith.index_cast %parallel_loop3A_75 : i32 to index
          %parallel_loop3A_156 = arith.index_cast %parallel_loop3A_154 : i32 to index
          %parallel_loop3A_157 = tpu.vector_load %arg7[%parallel_loop3A_155, %parallel_loop3A_156] {strides = array<i32>} : memref<16x1024xf32, #tpu.memory_space<vmem>>, vector<16xf32>,
          tpu.vector_store %arg7[%parallel_loop3A_155, %parallel_loop3A_156], %parallel_loop3A_152 {strides = array<i32>} : memref<16x1024xf32, #tpu.memory_space<vmem>>, vector<16xf32>,
          %parallel_loop3A_158 = arith.constant 7 : i32
          %parallel_loop3A_159 = vector.broadcast %parallel_loop3A_158 : i32 to vector<16xi32>
          %parallel_loop3A_160 = arith.addi %mul3A_5, %parallel_loop3A_159 : vector<16xi32>
          %parallel_loop3A_161 = arith.addi %parallel_loop3A_87, %parallel_loop3A_160 : vector<16xi32>
          %parallel_loop3A_162 = tpu.vector_load_idx %arg5[%parallel_loop3A_161] : memref<33024xf32, #tpu.memory_space<vmem>>[vector<16xi32>], vector<16xf32>,
          %parallel_loop3A_163 = arith.constant 896 : i32
          %parallel_loop3A_164 = arith.addi %parallel_loop3A_163, %parallel_loop3A_79 : i32
          %parallel_loop3A_165 = arith.index_cast %parallel_loop3A_75 : i32 to index
          %parallel_loop3A_166 = arith.index_cast %parallel_loop3A_164 : i32 to index
          %parallel_loop3A_167 = tpu.vector_load %arg7[%parallel_loop3A_165, %parallel_loop3A_166] {strides = array<i32>} : memref<16x1024xf32, #tpu.memory_space<vmem>>, vector<16xf32>,
          tpu.vector_store %arg7[%parallel_loop3A_165, %parallel_loop3A_166], %parallel_loop3A_162 {strides = array<i32>} : memref<16x1024xf32, #tpu.memory_space<vmem>>, vector<16xf32>,
          %parallel_loop3A_168 = arith.constant 8 : i32
          %parallel_loop3A_169 = vector.broadcast %parallel_loop3A_168 : i32 to vector<16xi32>
          %parallel_loop3A_170 = arith.addi %mul3A_5, %parallel_loop3A_169 : vector<16xi32>
          %parallel_loop3A_171 = arith.addi %parallel_loop3A_87, %parallel_loop3A_170 : vector<16xi32>
          %parallel_loop3A_172 = tpu.vector_load_idx %arg5[%parallel_loop3A_171] : memref<33024xf32, #tpu.memory_space<vmem>>[vector<16xi32>], vector<16xf32>,
          %parallel_loop3A_173 = arith.constant 0 : i32
          %parallel_loop3A_174 = arith.addi %parallel_loop3A_173, %parallel_loop3A_79 : i32
          %parallel_loop3A_175 = arith.index_cast %parallel_loop3A_75 : i32 to index
          %parallel_loop3A_176 = arith.index_cast %parallel_loop3A_174 : i32 to index
          %parallel_loop3A_177 = tpu.vector_load %arg8[%parallel_loop3A_175, %parallel_loop3A_176] {strides = array<i32>} : memref<16x1024xf32, #tpu.memory_space<vmem>>, vector<16xf32>,
          tpu.vector_store %arg8[%parallel_loop3A_175, %parallel_loop3A_176], %parallel_loop3A_172 {strides = array<i32>} : memref<16x1024xf32, #tpu.memory_space<vmem>>, vector<16xf32>,
          %parallel_loop3A_178 = arith.constant 9 : i32
          %parallel_loop3A_179 = vector.broadcast %parallel_loop3A_178 : i32 to vector<16xi32>
          %parallel_loop3A_180 = arith.addi %mul3A_5, %parallel_loop3A_179 : vector<16xi32>
          %parallel_loop3A_181 = arith.addi %parallel_loop3A_87, %parallel_loop3A_180 : vector<16xi32>
          %parallel_loop3A_182 = tpu.vector_load_idx %arg5[%parallel_loop3A_181] : memref<33024xf32, #tpu.memory_space<vmem>>[vector<16xi32>], vector<16xf32>,
          %parallel_loop3A_183 = arith.constant 128 : i32
          %parallel_loop3A_184 = arith.addi %parallel_loop3A_183, %parallel_loop3A_79 : i32
          %parallel_loop3A_185 = arith.index_cast %parallel_loop3A_75 : i32 to index
          %parallel_loop3A_186 = arith.index_cast %parallel_loop3A_184 : i32 to index
          %parallel_loop3A_187 = tpu.vector_load %arg8[%parallel_loop3A_185, %parallel_loop3A_186] {strides = array<i32>} : memref<16x1024xf32, #tpu.memory_space<vmem>>, vector<16xf32>,
          tpu.vector_store %arg8[%parallel_loop3A_185, %parallel_loop3A_186], %parallel_loop3A_182 {strides = array<i32>} : memref<16x1024xf32, #tpu.memory_space<vmem>>, vector<16xf32>,
          %parallel_loop3A_188 = arith.constant 10 : i32
          %parallel_loop3A_189 = vector.broadcast %parallel_loop3A_188 : i32 to vector<16xi32>
          %parallel_loop3A_190 = arith.addi %mul3A_5, %parallel_loop3A_189 : vector<16xi32>
          %parallel_loop3A_191 = arith.addi %parallel_loop3A_87, %parallel_loop3A_190 : vector<16xi32>
          %parallel_loop3A_192 = tpu.vector_load_idx %arg5[%parallel_loop3A_191] : memref<33024xf32, #tpu.memory_space<vmem>>[vector<16xi32>], vector<16xf32>,
          %parallel_loop3A_193 = arith.constant 256 : i32
          %parallel_loop3A_194 = arith.addi %parallel_loop3A_193, %parallel_loop3A_79 : i32
          %parallel_loop3A_195 = arith.index_cast %parallel_loop3A_75 : i32 to index
          %parallel_loop3A_196 = arith.index_cast %parallel_loop3A_194 : i32 to index
          %parallel_loop3A_197 = tpu.vector_load %arg8[%parallel_loop3A_195, %parallel_loop3A_196] {strides = array<i32>} : memref<16x1024xf32, #tpu.memory_space<vmem>>, vector<16xf32>,
          tpu.vector_store %arg8[%parallel_loop3A_195, %parallel_loop3A_196], %parallel_loop3A_192 {strides = array<i32>} : memref<16x1024xf32, #tpu.memory_space<vmem>>, vector<16xf32>,
          %parallel_loop3A_198 = arith.constant 11 : i32
          %parallel_loop3A_199 = vector.broadcast %parallel_loop3A_198 : i32 to vector<16xi32>
          %parallel_loop3A_200 = arith.addi %mul3A_5, %parallel_loop3A_199 : vector<16xi32>
          %parallel_loop3A_201 = arith.addi %parallel_loop3A_87, %parallel_loop3A_200 : vector<16xi32>
          %parallel_loop3A_202 = tpu.vector_load_idx %arg5[%parallel_loop3A_201] : memref<33024xf32, #tpu.memory_space<vmem>>[vector<16xi32>], vector<16xf32>,
          %parallel_loop3A_203 = arith.constant 384 : i32
          %parallel_loop3A_204 = arith.addi %parallel_loop3A_203, %parallel_loop3A_79 : i32
          %parallel_loop3A_205 = arith.index_cast %parallel_loop3A_75 : i32 to index
          %parallel_loop3A_206 = arith.index_cast %parallel_loop3A_204 : i32 to index
          %parallel_loop3A_207 = tpu.vector_load %arg8[%parallel_loop3A_205, %parallel_loop3A_206] {strides = array<i32>} : memref<16x1024xf32, #tpu.memory_space<vmem>>, vector<16xf32>,
          tpu.vector_store %arg8[%parallel_loop3A_205, %parallel_loop3A_206], %parallel_loop3A_202 {strides = array<i32>} : memref<16x1024xf32, #tpu.memory_space<vmem>>, vector<16xf32>,
          %parallel_loop3A_208 = arith.constant 12 : i32
          %parallel_loop3A_209 = vector.broadcast %parallel_loop3A_208 : i32 to vector<16xi32>
          %parallel_loop3A_210 = arith.addi %mul3A_5, %parallel_loop3A_209 : vector<16xi32>
          %parallel_loop3A_211 = arith.addi %parallel_loop3A_87, %parallel_loop3A_210 : vector<16xi32>
          %parallel_loop3A_212 = tpu.vector_load_idx %arg5[%parallel_loop3A_211] : memref<33024xf32, #tpu.memory_space<vmem>>[vector<16xi32>], vector<16xf32>,
          %parallel_loop3A_213 = arith.constant 512 : i32
          %parallel_loop3A_214 = arith.addi %parallel_loop3A_213, %parallel_loop3A_79 : i32
          %parallel_loop3A_215 = arith.index_cast %parallel_loop3A_75 : i32 to index
          %parallel_loop3A_216 = arith.index_cast %parallel_loop3A_214 : i32 to index
          %parallel_loop3A_217 = tpu.vector_load %arg8[%parallel_loop3A_215, %parallel_loop3A_216] {strides = array<i32>} : memref<16x1024xf32, #tpu.memory_space<vmem>>, vector<16xf32>,
          tpu.vector_store %arg8[%parallel_loop3A_215, %parallel_loop3A_216], %parallel_loop3A_212 {strides = array<i32>} : memref<16x1024xf32, #tpu.memory_space<vmem>>, vector<16xf32>,
          %parallel_loop3A_218 = arith.constant 13 : i32
          %parallel_loop3A_219 = vector.broadcast %parallel_loop3A_218 : i32 to vector<16xi32>
          %parallel_loop3A_220 = arith.addi %mul3A_5, %parallel_loop3A_219 : vector<16xi32>
          %parallel_loop3A_221 = arith.addi %parallel_loop3A_87, %parallel_loop3A_220 : vector<16xi32>
          %parallel_loop3A_222 = tpu.vector_load_idx %arg5[%parallel_loop3A_221] : memref<33024xf32, #tpu.memory_space<vmem>>[vector<16xi32>], vector<16xf32>,
          %parallel_loop3A_223 = arith.constant 640 : i32
          %parallel_loop3A_224 = arith.addi %parallel_loop3A_223, %parallel_loop3A_79 : i32
          %parallel_loop3A_225 = arith.index_cast %parallel_loop3A_75 : i32 to index
          %parallel_loop3A_226 = arith.index_cast %parallel_loop3A_224 : i32 to index
          %parallel_loop3A_227 = tpu.vector_load %arg8[%parallel_loop3A_225, %parallel_loop3A_226] {strides = array<i32>} : memref<16x1024xf32, #tpu.memory_space<vmem>>, vector<16xf32>,
          tpu.vector_store %arg8[%parallel_loop3A_225, %parallel_loop3A_226], %parallel_loop3A_222 {strides = array<i32>} : memref<16x1024xf32, #tpu.memory_space<vmem>>, vector<16xf32>,
          %parallel_loop3A_228 = arith.constant 14 : i32
          %parallel_loop3A_229 = vector.broadcast %parallel_loop3A_228 : i32 to vector<16xi32>
          %parallel_loop3A_230 = arith.addi %mul3A_5, %parallel_loop3A_229 : vector<16xi32>
          %parallel_loop3A_231 = arith.addi %parallel_loop3A_87, %parallel_loop3A_230 : vector<16xi32>
          %parallel_loop3A_232 = tpu.vector_load_idx %arg5[%parallel_loop3A_231] : memref<33024xf32, #tpu.memory_space<vmem>>[vector<16xi32>], vector<16xf32>,
          %parallel_loop3A_233 = arith.constant 768 : i32
          %parallel_loop3A_234 = arith.addi %parallel_loop3A_233, %parallel_loop3A_79 : i32
          %parallel_loop3A_235 = arith.index_cast %parallel_loop3A_75 : i32 to index
          %parallel_loop3A_236 = arith.index_cast %parallel_loop3A_234 : i32 to index
          %parallel_loop3A_237 = tpu.vector_load %arg8[%parallel_loop3A_235, %parallel_loop3A_236] {strides = array<i32>} : memref<16x1024xf32, #tpu.memory_space<vmem>>, vector<16xf32>,
          tpu.vector_store %arg8[%parallel_loop3A_235, %parallel_loop3A_236], %parallel_loop3A_232 {strides = array<i32>} : memref<16x1024xf32, #tpu.memory_space<vmem>>, vector<16xf32>,
          %parallel_loop3A_238 = arith.constant 15 : i32
          %parallel_loop3A_239 = vector.broadcast %parallel_loop3A_238 : i32 to vector<16xi32>
          %parallel_loop3A_240 = arith.addi %mul3A_5, %parallel_loop3A_239 : vector<16xi32>
          %parallel_loop3A_241 = arith.addi %parallel_loop3A_87, %parallel_loop3A_240 : vector<16xi32>
          %parallel_loop3A_242 = tpu.vector_load_idx %arg5[%parallel_loop3A_241] : memref<33024xf32, #tpu.memory_space<vmem>>[vector<16xi32>], vector<16xf32>,
          %parallel_loop3A_243 = arith.constant 896 : i32
          %parallel_loop3A_244 = arith.addi %parallel_loop3A_243, %parallel_loop3A_79 : i32
          %parallel_loop3A_245 = arith.index_cast %parallel_loop3A_75 : i32 to index
          %parallel_loop3A_246 = arith.index_cast %parallel_loop3A_244 : i32 to index
          %parallel_loop3A_247 = tpu.vector_load %arg8[%parallel_loop3A_245, %parallel_loop3A_246] {strides = array<i32>} : memref<16x1024xf32, #tpu.memory_space<vmem>>, vector<16xf32>,
          tpu.vector_store %arg8[%parallel_loop3A_245, %parallel_loop3A_246], %parallel_loop3A_242 {strides = array<i32>} : memref<16x1024xf32, #tpu.memory_space<vmem>>, vector<16xf32>,
        } {sc.loop_unroll_factor = 1 : i64, sc.parallel_access}
        %mul3A_62 = arith.constant 1024 : i32
        %mul3A_63 = arith.muli %add3A, %mul3A_62 : i32
        %add3A_64 = arith.constant 0 : i32
        %add3A_65 = arith.addi %add3A_64, %mul3A_63 : i32
        %dma_start3A = tpu.memref_slice %arg4[%min3A_38, %add3A_65] : memref<200x65536xf32, #tpu.memory_space<hbm>> -> memref<16x1024xf32, #tpu.memory_space<hbm>>
        %dma_start3A_66 = tpu.memref_slice %arg4[%min3A_38, %add3A_65] : memref<200x65536xf32, #tpu.memory_space<hbm>> -> memref<16x1024xf32, #tpu.memory_space<hbm>>
        tpu.enqueue_dma source(%arg7 : memref<16x1024xf32, #tpu.memory_space<vmem>>) target(%dma_start3A_66 : memref<16x1024xf32, #tpu.memory_space<hbm>>) target_semaphore(%arg11 : memref<!tpu.dma_semaphore, #tpu.memory_space<semaphore_mem>>)
        %mul3A_67 = arith.constant 1024 : i32
        %mul3A_68 = arith.muli %add3A, %mul3A_67 : i32
        %add3A_69 = arith.constant 32768 : i32
        %add3A_70 = arith.addi %add3A_69, %mul3A_68 : i32
        %dma_start3A_71 = tpu.memref_slice %arg4[%min3A_38, %add3A_70] : memref<200x65536xf32, #tpu.memory_space<hbm>> -> memref<16x1024xf32, #tpu.memory_space<hbm>>
        %dma_start3A_72 = tpu.memref_slice %arg4[%min3A_38, %add3A_70] : memref<200x65536xf32, #tpu.memory_space<hbm>> -> memref<16x1024xf32, #tpu.memory_space<hbm>>
        tpu.enqueue_dma source(%arg8 : memref<16x1024xf32, #tpu.memory_space<vmem>>) target(%dma_start3A_72 : memref<16x1024xf32, #tpu.memory_space<hbm>>) target_semaphore(%arg11 : memref<!tpu.dma_semaphore, #tpu.memory_space<semaphore_mem>>)
      } else {
      }
      %eq3A_55 = arith.constant 1 : i32
      %eq3A_56 = arith.cmpi eq, %rem3A_35, %eq3A_55 : i32
      %convert_element_type3A_57 = arith.extui %eq3A_56 : i1 to i32
      %cond3A_58 = arith.constant 0 : i32
      %cond3A_59 = arith.cmpi ne, %convert_element_type3A_57, %cond3A_58 : i32
      scf.if %cond3A_59 {
        %parallel_loop3A = arith.constant 0 : i32
        %parallel_loop3A_60 = arith.constant 128 : i32
        %parallel_loop3A_61 = arith.constant 1 : i32
        scf.for %parallel_loop3A_73 = %parallel_loop3A to %parallel_loop3A_60 step %parallel_loop3A_61  : i32 {
          %parallel_loop3A_74 = arith.constant 3 : i32
          %parallel_loop3A_75 = arith.shrui %parallel_loop3A_73, %parallel_loop3A_74 : i32
          %parallel_loop3A_76 = arith.constant 7 : i32
          %parallel_loop3A_77 = arith.andi %parallel_loop3A_73, %parallel_loop3A_76 : i32
          %parallel_loop3A_78 = arith.constant 4 : i32
          %parallel_loop3A_79 = arith.shli %parallel_loop3A_77, %parallel_loop3A_78 : i32
          %parallel_loop3A_80 = arith.addi %min3A_38, %parallel_loop3A_75 : i32
          %parallel_loop3A_81 = vector.broadcast %parallel_loop3A_80 : i32 to vector<16xi32>
          %parallel_loop3A_82 = vector.broadcast %parallel_loop3A_79 : i32 to vector<16xi32>
          %parallel_loop3A_83 = arith.addi %iota3A, %parallel_loop3A_82 : vector<16xi32>
          %parallel_loop3A_84 = tpu.vector_load_idx %arg6[%parallel_loop3A_83, %parallel_loop3A_81] : memref<128x201xi32, #tpu.memory_space<vmem>>[vector<16xi32>, vector<16xi32>], vector<16xi32>,
          %parallel_loop3A_85 = arith.constant 16 : i32
          %parallel_loop3A_86 = vector.broadcast %parallel_loop3A_85 : i32 to vector<16xi32>
          %parallel_loop3A_87 = arith.muli %parallel_loop3A_84, %parallel_loop3A_86 : vector<16xi32>
          %parallel_loop3A_88 = arith.constant 0 : i32
          %parallel_loop3A_89 = vector.broadcast %parallel_loop3A_88 : i32 to vector<16xi32>
          %parallel_loop3A_90 = arith.addi %mul3A_5, %parallel_loop3A_89 : vector<16xi32>
          %parallel_loop3A_91 = arith.addi %parallel_loop3A_87, %parallel_loop3A_90 : vector<16xi32>
          %parallel_loop3A_92 = tpu.vector_load_idx %arg5[%parallel_loop3A_91] : memref<33024xf32, #tpu.memory_space<vmem>>[vector<16xi32>], vector<16xf32>,
          %parallel_loop3A_93 = arith.constant 0 : i32
          %parallel_loop3A_94 = arith.addi %parallel_loop3A_93, %parallel_loop3A_79 : i32
          %parallel_loop3A_95 = arith.index_cast %parallel_loop3A_75 : i32 to index
          %parallel_loop3A_96 = arith.index_cast %parallel_loop3A_94 : i32 to index
          %parallel_loop3A_97 = tpu.vector_load %arg9[%parallel_loop3A_95, %parallel_loop3A_96] {strides = array<i32>} : memref<16x1024xf32, #tpu.memory_space<vmem>>, vector<16xf32>,
          tpu.vector_store %arg9[%parallel_loop3A_95, %parallel_loop3A_96], %parallel_loop3A_92 {strides = array<i32>} : memref<16x1024xf32, #tpu.memory_space<vmem>>, vector<16xf32>,
          %parallel_loop3A_98 = arith.constant 1 : i32
          %parallel_loop3A_99 = vector.broadcast %parallel_loop3A_98 : i32 to vector<16xi32>
          %parallel_loop3A_100 = arith.addi %mul3A_5, %parallel_loop3A_99 : vector<16xi32>
          %parallel_loop3A_101 = arith.addi %parallel_loop3A_87, %parallel_loop3A_100 : vector<16xi32>
          %parallel_loop3A_102 = tpu.vector_load_idx %arg5[%parallel_loop3A_101] : memref<33024xf32, #tpu.memory_space<vmem>>[vector<16xi32>], vector<16xf32>,
          %parallel_loop3A_103 = arith.constant 128 : i32
          %parallel_loop3A_104 = arith.addi %parallel_loop3A_103, %parallel_loop3A_79 : i32
          %parallel_loop3A_105 = arith.index_cast %parallel_loop3A_75 : i32 to index
          %parallel_loop3A_106 = arith.index_cast %parallel_loop3A_104 : i32 to index
          %parallel_loop3A_107 = tpu.vector_load %arg9[%parallel_loop3A_105, %parallel_loop3A_106] {strides = array<i32>} : memref<16x1024xf32, #tpu.memory_space<vmem>>, vector<16xf32>,
          tpu.vector_store %arg9[%parallel_loop3A_105, %parallel_loop3A_106], %parallel_loop3A_102 {strides = array<i32>} : memref<16x1024xf32, #tpu.memory_space<vmem>>, vector<16xf32>,
          %parallel_loop3A_108 = arith.constant 2 : i32
          %parallel_loop3A_109 = vector.broadcast %parallel_loop3A_108 : i32 to vector<16xi32>
          %parallel_loop3A_110 = arith.addi %mul3A_5, %parallel_loop3A_109 : vector<16xi32>
          %parallel_loop3A_111 = arith.addi %parallel_loop3A_87, %parallel_loop3A_110 : vector<16xi32>
          %parallel_loop3A_112 = tpu.vector_load_idx %arg5[%parallel_loop3A_111] : memref<33024xf32, #tpu.memory_space<vmem>>[vector<16xi32>], vector<16xf32>,
          %parallel_loop3A_113 = arith.constant 256 : i32
          %parallel_loop3A_114 = arith.addi %parallel_loop3A_113, %parallel_loop3A_79 : i32
          %parallel_loop3A_115 = arith.index_cast %parallel_loop3A_75 : i32 to index
          %parallel_loop3A_116 = arith.index_cast %parallel_loop3A_114 : i32 to index
          %parallel_loop3A_117 = tpu.vector_load %arg9[%parallel_loop3A_115, %parallel_loop3A_116] {strides = array<i32>} : memref<16x1024xf32, #tpu.memory_space<vmem>>, vector<16xf32>,
          tpu.vector_store %arg9[%parallel_loop3A_115, %parallel_loop3A_116], %parallel_loop3A_112 {strides = array<i32>} : memref<16x1024xf32, #tpu.memory_space<vmem>>, vector<16xf32>,
          %parallel_loop3A_118 = arith.constant 3 : i32
          %parallel_loop3A_119 = vector.broadcast %parallel_loop3A_118 : i32 to vector<16xi32>
          %parallel_loop3A_120 = arith.addi %mul3A_5, %parallel_loop3A_119 : vector<16xi32>
          %parallel_loop3A_121 = arith.addi %parallel_loop3A_87, %parallel_loop3A_120 : vector<16xi32>
          %parallel_loop3A_122 = tpu.vector_load_idx %arg5[%parallel_loop3A_121] : memref<33024xf32, #tpu.memory_space<vmem>>[vector<16xi32>], vector<16xf32>,
          %parallel_loop3A_123 = arith.constant 384 : i32
          %parallel_loop3A_124 = arith.addi %parallel_loop3A_123, %parallel_loop3A_79 : i32
          %parallel_loop3A_125 = arith.index_cast %parallel_loop3A_75 : i32 to index
          %parallel_loop3A_126 = arith.index_cast %parallel_loop3A_124 : i32 to index
          %parallel_loop3A_127 = tpu.vector_load %arg9[%parallel_loop3A_125, %parallel_loop3A_126] {strides = array<i32>} : memref<16x1024xf32, #tpu.memory_space<vmem>>, vector<16xf32>,
          tpu.vector_store %arg9[%parallel_loop3A_125, %parallel_loop3A_126], %parallel_loop3A_122 {strides = array<i32>} : memref<16x1024xf32, #tpu.memory_space<vmem>>, vector<16xf32>,
          %parallel_loop3A_128 = arith.constant 4 : i32
          %parallel_loop3A_129 = vector.broadcast %parallel_loop3A_128 : i32 to vector<16xi32>
          %parallel_loop3A_130 = arith.addi %mul3A_5, %parallel_loop3A_129 : vector<16xi32>
          %parallel_loop3A_131 = arith.addi %parallel_loop3A_87, %parallel_loop3A_130 : vector<16xi32>
          %parallel_loop3A_132 = tpu.vector_load_idx %arg5[%parallel_loop3A_131] : memref<33024xf32, #tpu.memory_space<vmem>>[vector<16xi32>], vector<16xf32>,
          %parallel_loop3A_133 = arith.constant 512 : i32
          %parallel_loop3A_134 = arith.addi %parallel_loop3A_133, %parallel_loop3A_79 : i32
          %parallel_loop3A_135 = arith.index_cast %parallel_loop3A_75 : i32 to index
          %parallel_loop3A_136 = arith.index_cast %parallel_loop3A_134 : i32 to index
          %parallel_loop3A_137 = tpu.vector_load %arg9[%parallel_loop3A_135, %parallel_loop3A_136] {strides = array<i32>} : memref<16x1024xf32, #tpu.memory_space<vmem>>, vector<16xf32>,
          tpu.vector_store %arg9[%parallel_loop3A_135, %parallel_loop3A_136], %parallel_loop3A_132 {strides = array<i32>} : memref<16x1024xf32, #tpu.memory_space<vmem>>, vector<16xf32>,
          %parallel_loop3A_138 = arith.constant 5 : i32
          %parallel_loop3A_139 = vector.broadcast %parallel_loop3A_138 : i32 to vector<16xi32>
          %parallel_loop3A_140 = arith.addi %mul3A_5, %parallel_loop3A_139 : vector<16xi32>
          %parallel_loop3A_141 = arith.addi %parallel_loop3A_87, %parallel_loop3A_140 : vector<16xi32>
          %parallel_loop3A_142 = tpu.vector_load_idx %arg5[%parallel_loop3A_141] : memref<33024xf32, #tpu.memory_space<vmem>>[vector<16xi32>], vector<16xf32>,
          %parallel_loop3A_143 = arith.constant 640 : i32
          %parallel_loop3A_144 = arith.addi %parallel_loop3A_143, %parallel_loop3A_79 : i32
          %parallel_loop3A_145 = arith.index_cast %parallel_loop3A_75 : i32 to index
          %parallel_loop3A_146 = arith.index_cast %parallel_loop3A_144 : i32 to index
          %parallel_loop3A_147 = tpu.vector_load %arg9[%parallel_loop3A_145, %parallel_loop3A_146] {strides = array<i32>} : memref<16x1024xf32, #tpu.memory_space<vmem>>, vector<16xf32>,
          tpu.vector_store %arg9[%parallel_loop3A_145, %parallel_loop3A_146], %parallel_loop3A_142 {strides = array<i32>} : memref<16x1024xf32, #tpu.memory_space<vmem>>, vector<16xf32>,
          %parallel_loop3A_148 = arith.constant 6 : i32
          %parallel_loop3A_149 = vector.broadcast %parallel_loop3A_148 : i32 to vector<16xi32>
          %parallel_loop3A_150 = arith.addi %mul3A_5, %parallel_loop3A_149 : vector<16xi32>
          %parallel_loop3A_151 = arith.addi %parallel_loop3A_87, %parallel_loop3A_150 : vector<16xi32>
          %parallel_loop3A_152 = tpu.vector_load_idx %arg5[%parallel_loop3A_151] : memref<33024xf32, #tpu.memory_space<vmem>>[vector<16xi32>], vector<16xf32>,
          %parallel_loop3A_153 = arith.constant 768 : i32
          %parallel_loop3A_154 = arith.addi %parallel_loop3A_153, %parallel_loop3A_79 : i32
          %parallel_loop3A_155 = arith.index_cast %parallel_loop3A_75 : i32 to index
          %parallel_loop3A_156 = arith.index_cast %parallel_loop3A_154 : i32 to index
          %parallel_loop3A_157 = tpu.vector_load %arg9[%parallel_loop3A_155, %parallel_loop3A_156] {strides = array<i32>} : memref<16x1024xf32, #tpu.memory_space<vmem>>, vector<16xf32>,
          tpu.vector_store %arg9[%parallel_loop3A_155, %parallel_loop3A_156], %parallel_loop3A_152 {strides = array<i32>} : memref<16x1024xf32, #tpu.memory_space<vmem>>, vector<16xf32>,
          %parallel_loop3A_158 = arith.constant 7 : i32
          %parallel_loop3A_159 = vector.broadcast %parallel_loop3A_158 : i32 to vector<16xi32>
          %parallel_loop3A_160 = arith.addi %mul3A_5, %parallel_loop3A_159 : vector<16xi32>
          %parallel_loop3A_161 = arith.addi %parallel_loop3A_87, %parallel_loop3A_160 : vector<16xi32>
          %parallel_loop3A_162 = tpu.vector_load_idx %arg5[%parallel_loop3A_161] : memref<33024xf32, #tpu.memory_space<vmem>>[vector<16xi32>], vector<16xf32>,
          %parallel_loop3A_163 = arith.constant 896 : i32
          %parallel_loop3A_164 = arith.addi %parallel_loop3A_163, %parallel_loop3A_79 : i32
          %parallel_loop3A_165 = arith.index_cast %parallel_loop3A_75 : i32 to index
          %parallel_loop3A_166 = arith.index_cast %parallel_loop3A_164 : i32 to index
          %parallel_loop3A_167 = tpu.vector_load %arg9[%parallel_loop3A_165, %parallel_loop3A_166] {strides = array<i32>} : memref<16x1024xf32, #tpu.memory_space<vmem>>, vector<16xf32>,
          tpu.vector_store %arg9[%parallel_loop3A_165, %parallel_loop3A_166], %parallel_loop3A_162 {strides = array<i32>} : memref<16x1024xf32, #tpu.memory_space<vmem>>, vector<16xf32>,
          %parallel_loop3A_168 = arith.constant 8 : i32
          %parallel_loop3A_169 = vector.broadcast %parallel_loop3A_168 : i32 to vector<16xi32>
          %parallel_loop3A_170 = arith.addi %mul3A_5, %parallel_loop3A_169 : vector<16xi32>
          %parallel_loop3A_171 = arith.addi %parallel_loop3A_87, %parallel_loop3A_170 : vector<16xi32>
          %parallel_loop3A_172 = tpu.vector_load_idx %arg5[%parallel_loop3A_171] : memref<33024xf32, #tpu.memory_space<vmem>>[vector<16xi32>], vector<16xf32>,
          %parallel_loop3A_173 = arith.constant 0 : i32
          %parallel_loop3A_174 = arith.addi %parallel_loop3A_173, %parallel_loop3A_79 : i32
          %parallel_loop3A_175 = arith.index_cast %parallel_loop3A_75 : i32 to index
          %parallel_loop3A_176 = arith.index_cast %parallel_loop3A_174 : i32 to index
          %parallel_loop3A_177 = tpu.vector_load %arg10[%parallel_loop3A_175, %parallel_loop3A_176] {strides = array<i32>} : memref<16x1024xf32, #tpu.memory_space<vmem>>, vector<16xf32>,
          tpu.vector_store %arg10[%parallel_loop3A_175, %parallel_loop3A_176], %parallel_loop3A_172 {strides = array<i32>} : memref<16x1024xf32, #tpu.memory_space<vmem>>, vector<16xf32>,
          %parallel_loop3A_178 = arith.constant 9 : i32
          %parallel_loop3A_179 = vector.broadcast %parallel_loop3A_178 : i32 to vector<16xi32>
          %parallel_loop3A_180 = arith.addi %mul3A_5, %parallel_loop3A_179 : vector<16xi32>
          %parallel_loop3A_181 = arith.addi %parallel_loop3A_87, %parallel_loop3A_180 : vector<16xi32>
          %parallel_loop3A_182 = tpu.vector_load_idx %arg5[%parallel_loop3A_181] : memref<33024xf32, #tpu.memory_space<vmem>>[vector<16xi32>], vector<16xf32>,
          %parallel_loop3A_183 = arith.constant 128 : i32
          %parallel_loop3A_184 = arith.addi %parallel_loop3A_183, %parallel_loop3A_79 : i32
          %parallel_loop3A_185 = arith.index_cast %parallel_loop3A_75 : i32 to index
          %parallel_loop3A_186 = arith.index_cast %parallel_loop3A_184 : i32 to index
          %parallel_loop3A_187 = tpu.vector_load %arg10[%parallel_loop3A_185, %parallel_loop3A_186] {strides = array<i32>} : memref<16x1024xf32, #tpu.memory_space<vmem>>, vector<16xf32>,
          tpu.vector_store %arg10[%parallel_loop3A_185, %parallel_loop3A_186], %parallel_loop3A_182 {strides = array<i32>} : memref<16x1024xf32, #tpu.memory_space<vmem>>, vector<16xf32>,
          %parallel_loop3A_188 = arith.constant 10 : i32
          %parallel_loop3A_189 = vector.broadcast %parallel_loop3A_188 : i32 to vector<16xi32>
          %parallel_loop3A_190 = arith.addi %mul3A_5, %parallel_loop3A_189 : vector<16xi32>
          %parallel_loop3A_191 = arith.addi %parallel_loop3A_87, %parallel_loop3A_190 : vector<16xi32>
          %parallel_loop3A_192 = tpu.vector_load_idx %arg5[%parallel_loop3A_191] : memref<33024xf32, #tpu.memory_space<vmem>>[vector<16xi32>], vector<16xf32>,
          %parallel_loop3A_193 = arith.constant 256 : i32
          %parallel_loop3A_194 = arith.addi %parallel_loop3A_193, %parallel_loop3A_79 : i32
          %parallel_loop3A_195 = arith.index_cast %parallel_loop3A_75 : i32 to index
          %parallel_loop3A_196 = arith.index_cast %parallel_loop3A_194 : i32 to index
          %parallel_loop3A_197 = tpu.vector_load %arg10[%parallel_loop3A_195, %parallel_loop3A_196] {strides = array<i32>} : memref<16x1024xf32, #tpu.memory_space<vmem>>, vector<16xf32>,
          tpu.vector_store %arg10[%parallel_loop3A_195, %parallel_loop3A_196], %parallel_loop3A_192 {strides = array<i32>} : memref<16x1024xf32, #tpu.memory_space<vmem>>, vector<16xf32>,
          %parallel_loop3A_198 = arith.constant 11 : i32
          %parallel_loop3A_199 = vector.broadcast %parallel_loop3A_198 : i32 to vector<16xi32>
          %parallel_loop3A_200 = arith.addi %mul3A_5, %parallel_loop3A_199 : vector<16xi32>
          %parallel_loop3A_201 = arith.addi %parallel_loop3A_87, %parallel_loop3A_200 : vector<16xi32>
          %parallel_loop3A_202 = tpu.vector_load_idx %arg5[%parallel_loop3A_201] : memref<33024xf32, #tpu.memory_space<vmem>>[vector<16xi32>], vector<16xf32>,
          %parallel_loop3A_203 = arith.constant 384 : i32
          %parallel_loop3A_204 = arith.addi %parallel_loop3A_203, %parallel_loop3A_79 : i32
          %parallel_loop3A_205 = arith.index_cast %parallel_loop3A_75 : i32 to index
          %parallel_loop3A_206 = arith.index_cast %parallel_loop3A_204 : i32 to index
          %parallel_loop3A_207 = tpu.vector_load %arg10[%parallel_loop3A_205, %parallel_loop3A_206] {strides = array<i32>} : memref<16x1024xf32, #tpu.memory_space<vmem>>, vector<16xf32>,
          tpu.vector_store %arg10[%parallel_loop3A_205, %parallel_loop3A_206], %parallel_loop3A_202 {strides = array<i32>} : memref<16x1024xf32, #tpu.memory_space<vmem>>, vector<16xf32>,
          %parallel_loop3A_208 = arith.constant 12 : i32
          %parallel_loop3A_209 = vector.broadcast %parallel_loop3A_208 : i32 to vector<16xi32>
          %parallel_loop3A_210 = arith.addi %mul3A_5, %parallel_loop3A_209 : vector<16xi32>
          %parallel_loop3A_211 = arith.addi %parallel_loop3A_87, %parallel_loop3A_210 : vector<16xi32>
          %parallel_loop3A_212 = tpu.vector_load_idx %arg5[%parallel_loop3A_211] : memref<33024xf32, #tpu.memory_space<vmem>>[vector<16xi32>], vector<16xf32>,
          %parallel_loop3A_213 = arith.constant 512 : i32
          %parallel_loop3A_214 = arith.addi %parallel_loop3A_213, %parallel_loop3A_79 : i32
          %parallel_loop3A_215 = arith.index_cast %parallel_loop3A_75 : i32 to index
          %parallel_loop3A_216 = arith.index_cast %parallel_loop3A_214 : i32 to index
          %parallel_loop3A_217 = tpu.vector_load %arg10[%parallel_loop3A_215, %parallel_loop3A_216] {strides = array<i32>} : memref<16x1024xf32, #tpu.memory_space<vmem>>, vector<16xf32>,
          tpu.vector_store %arg10[%parallel_loop3A_215, %parallel_loop3A_216], %parallel_loop3A_212 {strides = array<i32>} : memref<16x1024xf32, #tpu.memory_space<vmem>>, vector<16xf32>,
          %parallel_loop3A_218 = arith.constant 13 : i32
          %parallel_loop3A_219 = vector.broadcast %parallel_loop3A_218 : i32 to vector<16xi32>
          %parallel_loop3A_220 = arith.addi %mul3A_5, %parallel_loop3A_219 : vector<16xi32>
          %parallel_loop3A_221 = arith.addi %parallel_loop3A_87, %parallel_loop3A_220 : vector<16xi32>
          %parallel_loop3A_222 = tpu.vector_load_idx %arg5[%parallel_loop3A_221] : memref<33024xf32, #tpu.memory_space<vmem>>[vector<16xi32>], vector<16xf32>,
          %parallel_loop3A_223 = arith.constant 640 : i32
          %parallel_loop3A_224 = arith.addi %parallel_loop3A_223, %parallel_loop3A_79 : i32
          %parallel_loop3A_225 = arith.index_cast %parallel_loop3A_75 : i32 to index
          %parallel_loop3A_226 = arith.index_cast %parallel_loop3A_224 : i32 to index
          %parallel_loop3A_227 = tpu.vector_load %arg10[%parallel_loop3A_225, %parallel_loop3A_226] {strides = array<i32>} : memref<16x1024xf32, #tpu.memory_space<vmem>>, vector<16xf32>,
          tpu.vector_store %arg10[%parallel_loop3A_225, %parallel_loop3A_226], %parallel_loop3A_222 {strides = array<i32>} : memref<16x1024xf32, #tpu.memory_space<vmem>>, vector<16xf32>,
          %parallel_loop3A_228 = arith.constant 14 : i32
          %parallel_loop3A_229 = vector.broadcast %parallel_loop3A_228 : i32 to vector<16xi32>
          %parallel_loop3A_230 = arith.addi %mul3A_5, %parallel_loop3A_229 : vector<16xi32>
          %parallel_loop3A_231 = arith.addi %parallel_loop3A_87, %parallel_loop3A_230 : vector<16xi32>
          %parallel_loop3A_232 = tpu.vector_load_idx %arg5[%parallel_loop3A_231] : memref<33024xf32, #tpu.memory_space<vmem>>[vector<16xi32>], vector<16xf32>,
          %parallel_loop3A_233 = arith.constant 768 : i32
          %parallel_loop3A_234 = arith.addi %parallel_loop3A_233, %parallel_loop3A_79 : i32
          %parallel_loop3A_235 = arith.index_cast %parallel_loop3A_75 : i32 to index
          %parallel_loop3A_236 = arith.index_cast %parallel_loop3A_234 : i32 to index
          %parallel_loop3A_237 = tpu.vector_load %arg10[%parallel_loop3A_235, %parallel_loop3A_236] {strides = array<i32>} : memref<16x1024xf32, #tpu.memory_space<vmem>>, vector<16xf32>,
          tpu.vector_store %arg10[%parallel_loop3A_235, %parallel_loop3A_236], %parallel_loop3A_232 {strides = array<i32>} : memref<16x1024xf32, #tpu.memory_space<vmem>>, vector<16xf32>,
          %parallel_loop3A_238 = arith.constant 15 : i32
          %parallel_loop3A_239 = vector.broadcast %parallel_loop3A_238 : i32 to vector<16xi32>
          %parallel_loop3A_240 = arith.addi %mul3A_5, %parallel_loop3A_239 : vector<16xi32>
          %parallel_loop3A_241 = arith.addi %parallel_loop3A_87, %parallel_loop3A_240 : vector<16xi32>
          %parallel_loop3A_242 = tpu.vector_load_idx %arg5[%parallel_loop3A_241] : memref<33024xf32, #tpu.memory_space<vmem>>[vector<16xi32>], vector<16xf32>,
          %parallel_loop3A_243 = arith.constant 896 : i32
          %parallel_loop3A_244 = arith.addi %parallel_loop3A_243, %parallel_loop3A_79 : i32
          %parallel_loop3A_245 = arith.index_cast %parallel_loop3A_75 : i32 to index
          %parallel_loop3A_246 = arith.index_cast %parallel_loop3A_244 : i32 to index
          %parallel_loop3A_247 = tpu.vector_load %arg10[%parallel_loop3A_245, %parallel_loop3A_246] {strides = array<i32>} : memref<16x1024xf32, #tpu.memory_space<vmem>>, vector<16xf32>,
          tpu.vector_store %arg10[%parallel_loop3A_245, %parallel_loop3A_246], %parallel_loop3A_242 {strides = array<i32>} : memref<16x1024xf32, #tpu.memory_space<vmem>>, vector<16xf32>,
        } {sc.loop_unroll_factor = 1 : i64, sc.parallel_access}
        %mul3A_62 = arith.constant 1024 : i32
        %mul3A_63 = arith.muli %add3A, %mul3A_62 : i32
        %add3A_64 = arith.constant 0 : i32
        %add3A_65 = arith.addi %add3A_64, %mul3A_63 : i32
        %dma_start3A = tpu.memref_slice %arg4[%min3A_38, %add3A_65] : memref<200x65536xf32, #tpu.memory_space<hbm>> -> memref<16x1024xf32, #tpu.memory_space<hbm>>
        %dma_start3A_66 = tpu.memref_slice %arg4[%min3A_38, %add3A_65] : memref<200x65536xf32, #tpu.memory_space<hbm>> -> memref<16x1024xf32, #tpu.memory_space<hbm>>
        tpu.enqueue_dma source(%arg9 : memref<16x1024xf32, #tpu.memory_space<vmem>>) target(%dma_start3A_66 : memref<16x1024xf32, #tpu.memory_space<hbm>>) target_semaphore(%arg12 : memref<!tpu.dma_semaphore, #tpu.memory_space<semaphore_mem>>)
        %mul3A_67 = arith.constant 1024 : i32
        %mul3A_68 = arith.muli %add3A, %mul3A_67 : i32
        %add3A_69 = arith.constant 32768 : i32
        %add3A_70 = arith.addi %add3A_69, %mul3A_68 : i32
        %dma_start3A_71 = tpu.memref_slice %arg4[%min3A_38, %add3A_70] : memref<200x65536xf32, #tpu.memory_space<hbm>> -> memref<16x1024xf32, #tpu.memory_space<hbm>>
        %dma_start3A_72 = tpu.memref_slice %arg4[%min3A_38, %add3A_70] : memref<200x65536xf32, #tpu.memory_space<hbm>> -> memref<16x1024xf32, #tpu.memory_space<hbm>>
        tpu.enqueue_dma source(%arg10 : memref<16x1024xf32, #tpu.memory_space<vmem>>) target(%dma_start3A_72 : memref<16x1024xf32, #tpu.memory_space<hbm>>) target_semaphore(%arg12 : memref<!tpu.dma_semaphore, #tpu.memory_space<semaphore_mem>>)
      } else {
      }
    }
    %scan3A_10 = arith.constant 13 : i32
    %dma_wait3A = arith.constant 0 : i32
    %dma_wait3A_11 = arith.constant 0 : i32
    %dma_wait3A_12 = tpu.memref_slice %arg4[%dma_wait3A, %dma_wait3A_11] : memref<200x65536xf32, #tpu.memory_space<hbm>> -> memref<16x1024xf32, #tpu.memory_space<hbm>>
    %dma_wait3A_13 = arith.constant 0 : i32
    %dma_wait3A_14 = arith.constant 0 : i32
    %dma_wait3A_15 = tpu.memref_slice %arg4[%dma_wait3A_13, %dma_wait3A_14] : memref<200x65536xf32, #tpu.memory_space<hbm>> -> memref<16x1024xf32, #tpu.memory_space<hbm>>
    tpu.wait_dma2 semaphore(%arg11 : memref<!tpu.dma_semaphore, #tpu.memory_space<semaphore_mem>>) src(%dma_wait3A_15 : memref<16x1024xf32, #tpu.memory_space<hbm>>) dst(%arg7 : memref<16x1024xf32, #tpu.memory_space<vmem>>)
    %dma_wait3A_16 = arith.constant 0 : i32
    %dma_wait3A_17 = arith.constant 0 : i32
    %dma_wait3A_18 = tpu.memref_slice %arg4[%dma_wait3A_16, %dma_wait3A_17] : memref<200x65536xf32, #tpu.memory_space<hbm>> -> memref<16x1024xf32, #tpu.memory_space<hbm>>
    %dma_wait3A_19 = arith.constant 0 : i32
    %dma_wait3A_20 = arith.constant 0 : i32
    %dma_wait3A_21 = tpu.memref_slice %arg4[%dma_wait3A_19, %dma_wait3A_20] : memref<200x65536xf32, #tpu.memory_space<hbm>> -> memref<16x1024xf32, #tpu.memory_space<hbm>>
    tpu.wait_dma2 semaphore(%arg11 : memref<!tpu.dma_semaphore, #tpu.memory_space<semaphore_mem>>) src(%dma_wait3A_21 : memref<16x1024xf32, #tpu.memory_space<hbm>>) dst(%arg8 : memref<16x1024xf32, #tpu.memory_space<vmem>>)
    %dma_wait3A_22 = arith.constant 0 : i32
    %dma_wait3A_23 = arith.constant 0 : i32
    %dma_wait3A_24 = tpu.memref_slice %arg4[%dma_wait3A_22, %dma_wait3A_23] : memref<200x65536xf32, #tpu.memory_space<hbm>> -> memref<16x1024xf32, #tpu.memory_space<hbm>>
    %dma_wait3A_25 = arith.constant 0 : i32
    %dma_wait3A_26 = arith.constant 0 : i32
    %dma_wait3A_27 = tpu.memref_slice %arg4[%dma_wait3A_25, %dma_wait3A_26] : memref<200x65536xf32, #tpu.memory_space<hbm>> -> memref<16x1024xf32, #tpu.memory_space<hbm>>
    tpu.wait_dma2 semaphore(%arg12 : memref<!tpu.dma_semaphore, #tpu.memory_space<semaphore_mem>>) src(%dma_wait3A_27 : memref<16x1024xf32, #tpu.memory_space<hbm>>) dst(%arg9 : memref<16x1024xf32, #tpu.memory_space<vmem>>)
    %dma_wait3A_28 = arith.constant 0 : i32
    %dma_wait3A_29 = arith.constant 0 : i32
    %dma_wait3A_30 = tpu.memref_slice %arg4[%dma_wait3A_28, %dma_wait3A_29] : memref<200x65536xf32, #tpu.memory_space<hbm>> -> memref<16x1024xf32, #tpu.memory_space<hbm>>
    %dma_wait3A_31 = arith.constant 0 : i32
    %dma_wait3A_32 = arith.constant 0 : i32
    %dma_wait3A_33 = tpu.memref_slice %arg4[%dma_wait3A_31, %dma_wait3A_32] : memref<200x65536xf32, #tpu.memory_space<hbm>> -> memref<16x1024xf32, #tpu.memory_space<hbm>>
    tpu.wait_dma2 semaphore(%arg12 : memref<!tpu.dma_semaphore, #tpu.memory_space<semaphore_mem>>) src(%dma_wait3A_33 : memref<16x1024xf32, #tpu.memory_space<hbm>>) dst(%arg10 : memref<16x1024xf32, #tpu.memory_space<vmem>>)
    return
  }
}

module attributes {stable_mosaic.version = 14 : i64} {
  func.func @_table_kernel(%arg0: memref<128x32xf32, #tpu.memory_space<vmem>>, %arg1: memref<1x32xf32, #tpu.memory_space<vmem>>, %arg2: memref<1x32xf32, #tpu.memory_space<vmem>>, %arg3: memref<32x16xf32, #tpu.memory_space<vmem>>, %arg4: memref<1x16xf32, #tpu.memory_space<vmem>>, %arg5: memref<128x16xf32, #tpu.memory_space<vmem>>) attributes {dimension_semantics = [], scalar_prefetch = 0 : i64, scratch_operands = 0 : i64, tpu.core_type = #tpu.core_type<tc>} {
    %get3A = arith.constant 0 : index
    %get3A_0 = arith.constant 0 : index
    %get3A_1 = vector.load %arg0[%get3A, %get3A_0] : memref<128x32xf32, #tpu.memory_space<vmem>>, vector<128x32xf32>
    %reduce_sum3A = arith.constant dense<0.000000e+00> : vector<128xf32>
    %reduce_sum3A_2 = vector.multi_reduction <add>, %get3A_1, %reduce_sum3A [1] : vector<128x32xf32> to vector<128xf32>
    %broadcast_in_dim3A = vector.shape_cast %reduce_sum3A_2 : vector<128xf32> to vector<128x1xf32>
    %div3A = arith.constant 3.200000e+01 : f32
    %div3A_3 = vector.broadcast %div3A : f32 to vector<128x1xf32>
    %div3A_4 = arith.divf %broadcast_in_dim3A, %div3A_3 : vector<128x1xf32>
    %sub3A = vector.broadcast %div3A_4 : vector<128x1xf32> to vector<128x32xf32>
    %sub3A_5 = arith.subf %get3A_1, %sub3A : vector<128x32xf32>
    %mul3A = arith.mulf %sub3A_5, %sub3A_5 : vector<128x32xf32>
    %reduce_sum3A_6 = arith.constant dense<0.000000e+00> : vector<128xf32>
    %reduce_sum3A_7 = vector.multi_reduction <add>, %mul3A, %reduce_sum3A_6 [1] : vector<128x32xf32> to vector<128xf32>
    %broadcast_in_dim3A_8 = vector.shape_cast %reduce_sum3A_7 : vector<128xf32> to vector<128x1xf32>
    %div3A_9 = arith.constant 3.200000e+01 : f32
    %div3A_10 = vector.broadcast %div3A_9 : f32 to vector<128x1xf32>
    %div3A_11 = arith.divf %broadcast_in_dim3A_8, %div3A_10 : vector<128x1xf32>
    %add3A = arith.constant 9.99999974E-6 : f32
    %add3A_12 = vector.broadcast %add3A : f32 to vector<128x1xf32>
    %add3A_13 = arith.addf %div3A_11, %add3A_12 : vector<128x1xf32>
    %rsqrt3A = math.rsqrt %add3A_13 : vector<128x1xf32>
    %mul3A_14 = vector.broadcast %rsqrt3A : vector<128x1xf32> to vector<128x32xf32>
    %mul3A_15 = arith.mulf %sub3A_5, %mul3A_14 : vector<128x32xf32>
    %get3A_16 = arith.constant 0 : index
    %get3A_17 = arith.constant 0 : index
    %get3A_18 = vector.load %arg1[%get3A_16, %get3A_17] : memref<1x32xf32, #tpu.memory_space<vmem>>, vector<1x32xf32>
    %mul3A_19 = vector.broadcast %get3A_18 : vector<1x32xf32> to vector<128x32xf32>
    %mul3A_20 = arith.mulf %mul3A_15, %mul3A_19 : vector<128x32xf32>
    %get3A_21 = arith.constant 0 : index
    %get3A_22 = arith.constant 0 : index
    %get3A_23 = vector.load %arg2[%get3A_21, %get3A_22] : memref<1x32xf32, #tpu.memory_space<vmem>>, vector<1x32xf32>
    %add3A_24 = vector.broadcast %get3A_23 : vector<1x32xf32> to vector<128x32xf32>
    %add3A_25 = arith.addf %mul3A_20, %add3A_24 : vector<128x32xf32>
    %get3A_26 = arith.constant 0 : index
    %get3A_27 = arith.constant 0 : index
    %get3A_28 = vector.load %arg3[%get3A_26, %get3A_27] : memref<32x16xf32, #tpu.memory_space<vmem>>, vector<32x16xf32>
    %dot_general3A = arith.constant dense<0.000000e+00> : vector<128x16xf32>
    %dot_general3A_29 = tpu.matmul %add3A_25, %get3A_28, %dot_general3A {dimension_numbers = #tpu.dot_dimension_numbers<[1], [0], [0], [1], [0, 0, 1, 1], [], []>, transpose_lhs_hint = false} : vector<128x32xf32>, vector<32x16xf32>, vector<128x16xf32> -> vector<128x16xf32>
    %get3A_30 = arith.constant 0 : index
    %get3A_31 = arith.constant 0 : index
    %get3A_32 = vector.load %arg4[%get3A_30, %get3A_31] : memref<1x16xf32, #tpu.memory_space<vmem>>, vector<1x16xf32>
    %add3A_33 = vector.broadcast %get3A_32 : vector<1x16xf32> to vector<128x16xf32>
    %add3A_34 = arith.addf %dot_general3A_29, %add3A_33 : vector<128x16xf32>
    %swap3A = arith.constant 0 : index
    %swap3A_35 = arith.constant 0 : index
    %swap3A_36 = vector.load %arg5[%swap3A, %swap3A_35] : memref<128x16xf32, #tpu.memory_space<vmem>>, vector<128x16xf32>
    tpu.vector_store %arg5[%swap3A, %swap3A_35], %add3A_34 {strides = array<i32>} : memref<128x16xf32, #tpu.memory_space<vmem>>, vector<128x16xf32>,
    return
  }
}

</mosaic_0001>

<sc_bundles>
// kernel: kernel.4.cloned.1.call-start
scs
__scs_entry_jumppad:
0x0: {  	(pc) =	sbr.rel $0x88, $3  }
0x1: {  	(tag) =	ssettag $0x0;
	lr =	simm.s32 $0x1  }
0x2: {  	[smem:$0x3F9B] =	sst lr;
	_ =	strace $0xD0000000  }
0x3: {  	_ = 	snop  }
0x4: {  	_ = 	snop  }
0x5: {  	_ = 	snop  }
0x6: {  	_ = 	snop  }
0x7: {  	_ = 	snop  }
__scs_overlays_trampoline_lowered:
0x8: {  	[smem:$0x3FAA] =	sst s0  }
0x9: {  	[smem:$0x3FAB] =	sst s1  }
0xa: {  	[smem:$0x3FAC] =	sst s2  }
0xb: {  	[smem:$0x3FAD] =	sst s3  }
0xc: {  	[smem:$0x3FAE] =	sst s4  }
0xd: {  	[smem:$0x3FAF] =	sst s5  }
0xe: {  	[smem:$0x3FB0] =	sst s6  }
0xf: {  	[smem:$0x3FB1] =	sst s7  }
0x10: {  	[smem:$0x3FB2] =	sst s8  }
0x11: {  	[smem:$0x3FB3] =	sst s9;
	s0 =	simm.s32 @!p0 $0x0  }
0x12: {  	s1 =	sld [smem:$0x3F99];
	s0 =	simm.s32 @p0 $0x1  }
0x13: {  	[smem:$0x3FB4] =	sst s0;
	s0 =	simm.s32 @!p1 $0x0  }
0x14: {  	s2 =	sld [smem:$0x3F98];
	s0 =	simm.s32 @p1 $0x1  }
0x15: {  	[smem:$0x3FB5] =	sst s0;
	s0 =	simm.s32 @!p2 $0x0  }
0x16: {  	s3 =	sld [smem:$0x3FDB];
	s0 =	simm.s32 @p2 $0x1  }
0x17: {  	s4 =	simm.s32 $0x1BF5;
	[smem:$0x3FB7] =	sst s0  }
0x18: {  	s0 =	sld [smem:$0x3F9A];
	_ =	swait.ge [sflag:s4], $0x0  }
0x19: {  	s7 =	sld [smem:$0x3F9B]  }
0x1a: {  	s8 =	sadd.s32 $0xFFFFE003, lr  }
0x1b: {  	s9 =	sadd.s32 $0xFFFFFEF7, lr;
	s5 =	simm.s32 $0xFFFFFFFF;
	p2 =	slt.u32 s8, $0xFFFFF086  }
0x1c: {  	p1 =	slt.u32 s9, $0xF7A;
	s5 =	simm.s32 @!p2 $0x0  }
0x1d: {  	s5 =	simm.s32 @p1 $0x1;
	p0 =	seq.s32 s7, s2  }
0x1e: {  	s7 =	smul.u32 @!p0 $0xF7A, s2;
	p2 =	seq.s32 @!p0 s5, $0x0  }
0x1f: {  	s9 =	smul.u32 $0xF7A, s1;
	s8 =	simm.s32 @!p0 $0x1BF5;
	p2 =	por !p2, p0  }
0x20: {  	[sflag:s8] =	ssyncset.s32 @!p0 $0xFFFFF086;
	s6 =	sadd.s32 @!p0 s3, s7;
	s7 =	simm.s32 @!p0 $0x108  }
0x21: {  	s3 =	sadd.s32 s3, s9;
	s6 =	sadd.s32 @!p0 $0x88, s6;
	s7 =	simm.s32 @p2 $0x1082  }
0x22: {  	[simem:s7], [sflag:s8] =	dma.local @!p0 [hbm:s6], $0xF7A  }
0x23: {  	s9 =	sor.u32 $0xD0000000, s2;
	s6 =	simm.s32 $0x108;
	_ =	swait.ge @!p0 [sflag:s8], $0x0  }
0x24: {  	s3 =	sadd.s32 $0x88, s3;
	s6 =	simm.s32 @!p1 $0x1082;
	[sflag:s4] =	ssyncset.s32 $0xFFFFF086  }
0x25: {  	[simem:s6], [sflag:s4] =	dma.local [hbm:s3], $0xF7A  }
0x26: {  	[smem:$0x3F9B] =	sst s1;
	(tag) =	ssettag s2;
	_ =	strace s9  }
0x27: {  	s1 =	sld [smem:$0x3FAB]  }
0x28: {  	s2 =	sld [smem:$0x3FAC]  }
0x29: {  	s4 =	sld [smem:$0x3FAE]  }
0x2a: {  	p0 =	seq.s32 s5, $0x0;
	s5 =	sld [smem:$0x3FAF]  }
0x2b: {  	s6 =	sld [smem:$0x3FB0]  }
0x2c: {  	s7 =	sld [smem:$0x3FB1]  }
0x2d: {  	s3 =	simm.s32 $0x108;
	s8 =	sld [smem:$0x3FB2]  }
0x2e: {  	s3 =	simm.s32 @!p0 $0x1082;
	s9 =	sld [smem:$0x3FB3]  }
0x2f: {  	lr =	sadd.s32 s0, s3;
	s0 =	sld [smem:$0x3FAA]  }
0x30: {  	s3 =	sld [smem:$0x3FAD]  }
0x31: {  	[smem:$0x3FB6] =	sst s10  }
0x32: {  	s10 =	sld [smem:$0x3FB4];
	_ =	sdelay $0x3  }
0x33: {  	p0 =	seq.s32 s10, $0x1;
	s10 =	sld [smem:$0x3FB6];
	_ =	sdelay $0x3  }
0x34: {  	[smem:$0x3FB6] =	sst s10  }
0x35: {  	s10 =	sld [smem:$0x3FB5];
	_ =	sdelay $0x3  }
0x36: {  	p1 =	seq.s32 s10, $0x1;
	s10 =	sld [smem:$0x3FB6];
	_ =	sdelay $0x3  }
0x37: {  	[smem:$0x3FB6] =	sst s10  }
0x38: {  	s10 =	sld [smem:$0x3FB7]  }
0x39: {  	_ = 	snop;
	(pc) =	sbr.ind lr, $3  }
0x3a: {  	_ = 	snop  }
0x3b: {  	_ = 	snop  }
0x3c: {  	p2 =	seq.s32 s10, $0x1;
	s10 =	sld [smem:$0x3FB6]  }
0x3d: {  	_ =	shalt  }
0x3e: {  	_ =	shalt  }
0x3f: {  	_ =	shalt  }
0x40: {  	_ =	shalt  }
0x41: {  	_ =	shalt  }
0x42: {  	_ =	shalt  }
0x43: {  	_ =	shalt  }
0x44: {  	_ =	shalt  }
0x45: {  	_ =	shalt  }
0x46: {  	_ =	shalt  }
0x47: {  	_ =	shalt  }
0x48: {  	_ =	shalt  }
0x49: {  	_ =	shalt  }
0x4a: {  	_ =	shalt  }
0x4b: {  	_ =	shalt  }
0x4c: {  	_ =	shalt  }
0x4d: {  	_ =	shalt  }
0x4e: {  	_ =	shalt  }
0x4f: {  	_ =	shalt  }
0x50: {  	_ =	shalt  }
0x51: {  	_ =	shalt  }
0x52: {  	_ =	shalt  }
0x53: {  	_ =	shalt  }
0x54: {  	_ =	shalt  }
0x55: {  	_ =	shalt  }
0x56: {  	_ =	shalt  }
0x57: {  	_ =	shalt  }
0x58: {  	_ =	shalt  }
0x59: {  	_ =	shalt  }
0x5a: {  	_ =	shalt  }
0x5b: {  	_ =	shalt  }
0x5c: {  	_ =	shalt  }
0x5d: {  	_ =	shalt  }
0x5e: {  	_ =	shalt  }
0x5f: {  	_ =	shalt  }
0x60: {  	_ =	shalt  }
0x61: {  	_ =	shalt  }
0x62: {  	_ =	shalt  }
0x63: {  	_ =	shalt  }
0x64: {  	_ =	shalt  }
0x65: {  	_ =	shalt  }
0x66: {  	_ =	shalt  }
0x67: {  	_ =	shalt  }
0x68: {  	_ =	shalt  }
0x69: {  	_ =	shalt  }
0x6a: {  	_ =	shalt  }
0x6b: {  	_ =	shalt  }
0x6c: {  	_ =	shalt  }
0x6d: {  	_ =	shalt  }
0x6e: {  	_ =	shalt  }
0x6f: {  	_ =	shalt  }
0x70: {  	_ =	shalt  }
0x71: {  	_ =	shalt  }
0x72: {  	_ =	shalt  }
0x73: {  	_ =	shalt  }
0x74: {  	_ =	shalt  }
0x75: {  	_ =	shalt  }
0x76: {  	_ =	shalt  }
0x77: {  	_ =	shalt  }
0x78: {  	_ =	shalt  }
0x79: {  	_ =	shalt  }
0x7a: {  	_ =	shalt  }
0x7b: {  	_ =	shalt  }
0x7c: {  	_ =	shalt  }
0x7d: {  	_ =	shalt  }
0x7e: {  	_ =	shalt  }
0x7f: {  	_ =	shalt  }
0x80: {  	_ =	shalt  }
0x81: {  	_ =	shalt  }
0x82: {  	_ =	shalt  }
0x83: {  	_ =	shalt  }
0x84: {  	_ =	shalt  }
0x85: {  	_ =	shalt  }
0x86: {  	_ =	shalt  }
0x87: {  	_ =	shalt  }
.Lfunc_end0:
.L_simem_size_0:
called_computation_lowered:
.L_overlay_start_0:
0x88: {  	s2 =	sld [smem:$0x3FD9]  }
0x89: {  	s3 =	sld [smem:$0x3FFE];
	_ =	sdelay $0x1  }
0x8a: {  	s1 =	srdreg.scid  }
0x8b: {  	s0 =	sand.u32 $0x1, s1  }
0x8c: {  	s17 =	sshll.u32 s0, $0xA;
	s2 =	sadd.s32 s3, s2  }
0x8d: {  	s2 =	sadd.s32 s2, s17  }
0x8e: {  	[smem:$0x3FC2] =	sst s2  }
0x8f: {  	_ = 	snop  }
0x90: {  	s2 =	sld [smem:$0x3FD0];
	(tm) =	ssettm $0x1  }
0x91: {  	s18 =	sld [smem:$0x3FFB];
	_ =	sdelay $0x3  }
0x92: {  	_ =	strace s18  }
0x93: {  	s3 =	sld [smem:$0x3FFC];
	_ =	sdelay $0x3  }
0x94: {  	_ =	strace s3  }
0x95: {  	s3 =	sld [smem:$0x3FFD];
	_ =	sdelay $0x3  }
0x96: {  	_ =	strace s3  }
0x97: {  	_ =	strace $0x8FFFFFFF  }
0x98: {  	s19 =	sld [smem:$0x3FDB];
	_ =	sdelay $0x1  }
0x99: {  	s4 =	simm.s32 $_scs_section_size  }
0x9a: {  	s5 =	simm.s32 $_size__tile_overlayer_lowered;
	s6 =	simm.s32 $_tile_overlayer_lowered  }
0x9b: {  	s22 =	simm.s32 $0x1BFF;
	s21 =	sshll.u32 s6, $0x1;
	s3 =	sadd.s32 s4, s19  }
0x9c: {  	s7 =	simm.s32 $0x0;
	s20 =	sshll.u32 s5, $0x1;
	s5 =	sadd.s32 s21, s3  }
0x9d: {  	[timem:s7], [sflag:s22] =	dma.local [hbm:s5], s20  }
0x9e: {  	_ =	swait.ge [sflag:s22], s20  }
0x9f: {  	s4 =	ssub.s32 $0x0, s20;
	[sflag:s22] =	ssyncset.done $0x0  }
0xa0: {  	[sflag:s22] =	ssyncadd.s32 s4;
	_ =	sdelay $0x1  }
0xa1: {  	s23 =	simm.s32 $0x1B8B  }
0xa2: {  	_ =	swait.ge [sflag:s23], $0x1  }
0xa3: {  	[sflag:s23] =	ssyncset.done $0x0  }
0xa4: {  	s25 =	simm.s32 $0x1B8E;
	s24 =	sld [smem:$0x3FFE];
	[sflag:s23] =	ssyncadd.s32 $0xFFFFFFFF  }
0xa5: {  	s26 =	simm.s32 $execute0_lowered;
	[smem:$0x3FD2] =	sst s25  }
0xa6: {  	s5 =	sshll.u32 s26, $0x1;
	_ =	strace $0x80000046;
	[dreg:$0x1] =	wrdreg $0xFFFFFFFF  }
0xa7: {  	s28 =	simm.s32 $_size_execute0_lowered;
	s3 =	sadd.s32 s3, s5;
	[dreg:$0x0] =	wrdreg $0x0  }
0xa8: {  	s5 =	sshll.u32 s28, $0x1;
	[dreg:$0x2] =	wrdreg s3  }
0xa9: {  	[dreg:$0x3] =	wrdreg s5  }
0xaa: {  	[dreg:$0x4] =	wrdreg $0xC0  }
0xab: {  	_ =	task [dreg:s7], $0x5FFFF  }
0xac: {  	[dreg:$0x1] =	wrdreg $0xFFFFFFFF  }
0xad: {  	[dreg:$0x0] =	wrdreg $0x60  }
0xae: {  	[dreg:$0x2] =	wrdreg s24  }
0xaf: {  	[dreg:$0x3] =	wrdreg s2  }
0xb0: {  	[dreg:$0x4] =	wrdreg $0x9  }
0xb1: {  	_ =	task.clear_ibuf [dreg:s7], $0x5FFFF;
	_ =	strace $0x90000046  }
0xb2: {  	s29 =	simm.s32 $0x9;
	_ =	strace $0x80000048  }
0xb3: {  	_ =	swait.ge [sflag:s29], $0x1  }
0xb4: {  	[sflag:s29] =	ssyncadd.s32 $0xFFFFFFFF  }
0xb5: {  	_ =	strace $0x90000048  }
0xb6: {  	_ =	sfence  }
0xb7: {  	s30 =	sld [smem:$0x0];
	_ =	sdelay $0x2  }
0xb8: {  	s31 =	sshll.u32 s1, $0xD;
	s1 =	sshrl.u32 s1, $0x2  }
0xb9: {  	s3 =	sand.u32 $0x4000, s31;
	s1 =	sadd.s32 s1, s30  }
0xba: {  	s0 =	sor.u32 s3, s0;
	s1 =	sshll.u32 s1, $0x11  }
0xbb: {  	s0 =	sor.u32 s1, s0  }
0xbc: {  	s0 =	sadd.s32 $0x8F2B, s0  }
0xbd: {  	[sflag:s0] =	ssyncadd.remote.s32 $0x1  }
0xbe: {  	_ =	sfence.sel $0xFFFF  }
0xbf: {  	[dreg:$0x0] =	wrdreg $0xFFFFFFFF;
	(pc) =	sbr.abs _section_cstart, $3  }
0xc0: {  	[dreg:$0x1] =	wrdreg $0xFFFFFFFF  }
0xc1: {  	_ =	task.clear_ibuf [dreg:s7], $0x2FFFF;
	_ =	strace $0x9FFFFFFF  }
0xc2: {  	(tm) =	ssettm $0x7FFFFFFF  }
0xc3: {  	_ =	shalt  }
tec
execute0_lowered:
.L_overlay_start_1:
0x0: {  	(tag) =	ssettag $0x1  }
0x1: {  	v2 =	vlaneseq.u32  }
0x2: {  	v3 =	vimm.s32 $0x7654321;
	v5 =	vimm.s32 $0x10765432;
	v7 =	vimm.s32 $0x21076543  }
0x3: {  	v9 =	vimm.s32 $0x32107654;
	v11 =	vimm.s32 $0x43210765;
	v13 =	vimm.s32 $0x65432107  }
0x4: {  	s0 =	rddreg [dreg:$0x0];
	s1 =	srdreg.scid;
	v0 =	vmul.u32 $0xD0, v2;
	v1 =	vmul.u32 $0x811, v2;
	v2 =	vand.u32 $0x7, v2  }
0x5: {  	s3 =	stileid.u32;
	s2 =	rddreg [dreg:$0x1];
	s8 =	simm.s32 $0x3;
	v4 =	vunpack.c.l.s4.s8 v3;
	v6 =	vunpack.c.l.s4.s8 v5;
	v8 =	vunpack.c.l.s4.s8 v7  }
0x6: {  	s10 =	simm.s32 $0x8100;
	s11 =	simm.s32 $0x400;
	s12 =	simm.s32 $0x10000;
	v10 =	vunpack.c.l.s4.s8 v9;
	v12 =	vunpack.c.l.s4.s8 v11;
	v11 =	vimm.s32 $0x54321076  }
0x7: {  	s13 =	simm.s32 $0xE900;
	s14 =	simm.s32 $0x12900;
	s15 =	simm.s32 $0x16900;
	v16 =	vunpack.c.l.s4.s8 v13;
	v14 =	vunpack.c.l.s4.s8 v11;
	v3 =	vadd.s32 $0x1, v1  }
0x8: {  	s16 =	simm.s32 $0x1A900;
	s19 =	simm.s32 $0x0;
	s1 =	sand.u32 $0x1, s1;
	v4 =	vunpack.c.0.s8.s32 v4;
	v5 =	vadd.s32 $0x2, v1;
	v6 =	vunpack.c.0.s8.s32 v6  }
0x9: {  	s4 =	sshll.u32 s3, $0x1;
	s3 =	simm.s32 $0x0;
	s6 =	sadd.s32 $0x19E00, s0;
	v7 =	vadd.s32 $0x3, v1;
	v8 =	vunpack.c.0.s8.s32 v8;
	v9 =	vadd.s32 $0x4, v1  }
.Ltmp0:
0xa: {  	s4 =	sor.u32 s1, s4;
	s1 =	ssub.s32 $0x2, s1;
	v10 =	vunpack.c.0.s8.s32 v10;
	v11 =	vadd.s32 $0x5, v1;
	v12 =	vunpack.c.0.s8.s32 v12;
	(pc) =	sbr.rel .LBB2_1-.Ltmp0, $4  }
0xb: {  	[smem:$0x7FF] =	sst s3;
	s5 =	smul.u32 $0xC80, s4;
	s30 =	sshrl.u32 s1, $0x1;
	v13 =	vadd.s32 $0x6, v1;
	v15 =	vadd.s32 $0x7, v1;
	v16 =	vunpack.c.0.s8.s32 v16  }
0xc: {  	_ =	strace $0x80000047;
	[dreg:$0x3] =	wrdreg s6;
	v17 =	vadd.s32 $0x8, v1;
	v18 =	vadd.s32 $0x9, v1;
	v19 =	vadd.s32 $0xA, v1;
	s1 =	ssub.s32 s1, s30  }
0xd: {  	v20 =	vadd.s32 $0xB, v1;
	v21 =	vadd.s32 $0xC, v1;
	v22 =	vadd.s32 $0xD, v1;
	s0 =	sadd.s32 s5, s0;
	s5 =	sshll.u32 s4, $0xA;
	s31 =	smax.u32 s1, $0x1  }
0xe: {  	v23 =	vadd.s32 $0xE, v1;
	v24 =	vadd.s32 $0xF, v1;
	v14 =	vunpack.c.0.s8.s32 v14;
	s6 =	sadd.s32 $0xE00, s0;
	s7 =	sor.u32 $0x8000, s5;
	[dreg:$0x4] =	wrdreg s31  }
.LBB2_13:
0xf: {  	s0 =	simm.s32 $0x1  }
0x10: {  	_ =	swait.ge [sflag:s0], $0x4000  }
0x11: {  	[sflag:s0] =	ssyncset.done $0x0  }
0x12: {  	[sflag:s0] =	ssyncadd.s32 $0xFFFFC000  }
0x13: {  	_ =	swait.ge [sflag:s0], $0x4000  }
0x14: {  	[sflag:s0] =	ssyncset.done $0x0  }
0x15: {  	s1 =	simm.s32 $0x2;
	[sflag:s0] =	ssyncadd.s32 $0xFFFFC000  }
0x16: {  	_ =	swait.ge [sflag:s1], $0x4000  }
0x17: {  	[sflag:s1] =	ssyncset.done $0x0  }
0x18: {  	[sflag:s1] =	ssyncadd.s32 $0xFFFFC000  }
0x19: {  	_ =	swait.ge [sflag:s1], $0x4000  }
0x1a: {  	s19 =	sadd.s32 $0x1, s19;
	s31 =	rddreg [dreg:$0x4]  }
0x1b: {  	p0 =	sne.s32 s19, s31  }
.Ltmp1:
0x1c: {  	_ = 	snop;
	(pc) =	sbr.rel @!p0 .LBB2_14-.Ltmp1, $3  }
0x1d: {  	_ =	sdelay $0x1  }
0x1e: {  	[sflag:s1] =	ssyncset.done $0x0  }
0x1f: {  	s8 =	simm.s32 $0x3;
	[sflag:s1] =	ssyncadd.s32 $0xFFFFC000  }
.LBB2_1:
0x20: {  	s0 =	rddreg [dreg:$0x3]  }
0x21: {  	[tilespmem:s3], [sflag:$0x3] =	stream.linear.gather [hbm4b:s0+s3], $0x8100, $0x38;
	[tilespmem:$0x1E900] =	vst v63  }
0x22: {  	_ =	swait.ge [sflag:s8], $0x8100  }
0x23: {  	s20 =	sadd.s32 $0x0, s6;
	s1 =	simm.s32 $0x81D0;
	[sflag:s8] =	ssyncset.done $0x0  }
0x24: {  	s4 =	simm.s32 $0x8100;
	s0 =	simm.s32 $0x19;
	[sflag:s8] =	ssyncadd.s32 $0xFFFF7F00  }
.LBB2_2:
0x25: {  	[tilespmem:s4], [sflag:$0x3] =	stream.linear.gather [hbm4b:s20+s3], $0xC8, $0x38;
	[tilespmem:$0x1E900] =	vst v63  }
0x26: {  	s20 =	smov.u32 s0;
	s4 =	smov.u32 s1;
	p0 =	sne.s32 s0, $0xC67  }
.Ltmp2:
0x27: {  	s0 =	sadd.s32 $0x19, s0;
	(pc) =	sbr.rel @p0 .LBB2_2-.Ltmp2, $2  }
0x28: {  	_ =	sdelay $0x2  }
0x29: {  	s1 =	sadd.s32 $0xD0, s1;
	s20 =	sadd.s32 s20, s6  }
.Ltmp3:
0x2a: {  	(pc) =	sbr.rel .LBB2_4-.Ltmp3, $4  }
0x2b: {  	[tilespmem:s4], [sflag:$0x3] =	stream.linear.gather [hbm4b:s20+s3], $0xC8, $0x38;
	[tilespmem:$0x1E900] =	vst v63  }
0x2c: {  	_ =	swait.ge [sflag:s8], $0x6400  }
0x2d: {  	[sflag:s8] =	ssyncset.done $0x0  }
0x2e: {  	s20 =	simm.s32 $0x0;
	s21 =	simm.s32 $0x0;
	[sflag:s8] =	ssyncadd.s32 $0xFFFF9C00  }
.LBB2_12:
0x2f: {  	s21 =	sadd.s32 $0x1, s21  }
0x30: {  	p0 =	sne.s32 s21, $0xD  }
.Ltmp4:
0x31: {  	_ = 	snop;
	(pc) =	sbr.rel @!p0 .LBB2_13-.Ltmp4, $1  }
0x32: {  	_ =	sdelay $0x3  }
.LBB2_4:
0x33: {  	s0 =	sand.u32 $0x1, s21;
	p1 =	slt.u32 s21, $0x2  }
0x34: {  	p0 =	sne.s32 @!p1 s0, $0x0  }
0x35: {  	p2 =	por p0, p1  }
0x36: {  	s1 =	simm.s32 @!p2 $0x1  }
0x37: {  	_ =	swait.ge @!p2 [sflag:s1], $0x4000  }
0x38: {  	[sflag:s1] =	ssyncset.done @!p2 $0x0  }
0x39: {  	[sflag:s1] =	ssyncadd.s32 @!p2 $0xFFFFC000  }
0x3a: {  	p0 =	seq.s32 s0, $0x1;
	_ =	swait.ge @!p2 [sflag:s1], $0x4000  }
0x3b: {  	p1 =	por !p0, p1;
	[sflag:s1] =	ssyncset.done @!p2 $0x0  }
0x3c: {  	[sflag:s1] =	ssyncadd.s32 @!p2 $0xFFFFC000;
	s1 =	simm.s32 @!p1 $0x2  }
0x3d: {  	p2 =	sne.s32 s0, $0x0;
	_ =	swait.ge @!p1 [sflag:s1], $0x4000  }
.Ltmp5:
0x3e: {  	[sflag:s1] =	ssyncset.done @!p1 $0x0;
	(pc) =	sbr.rel @p2 .LBB2_8-.Ltmp5, $4  }
0x3f: {  	[sflag:s1] =	ssyncadd.s32 @!p1 $0xFFFFC000  }
0x40: {  	_ =	swait.ge @!p1 [sflag:s1], $0x4000  }
0x41: {  	s4 =	sshll.u32 s21, $0x4;
	[sflag:s1] =	ssyncset.done @!p1 $0x0  }
0x42: {  	s22 =	smin.u32 s4, $0xB8;
	[sflag:s1] =	ssyncadd.s32 @!p1 $0xFFFFC000  }
0x43: {  	s0 =	sand.u32 $0x70, s20  }
0x44: {  	v25 =	vmov s0  }
0x45: {  	v25 =	vmul.u32 $0xD0, v25  }
0x46: {  	s1 =	sadd.s32 $0x0, s22  }
0x47: {  	v26 =	vmov s1;
	v25 =	vbroadcast v25, $0x0  }
0x48: {  	v27 =	vand.u32 $0x1F8, v26  }
0x49: {  	v26 =	vand.u32 $0x7, v26;
	v25 =	vadd.s32 v27, v25  }
0x4a: {  	v25 =	vor.u32 v26, v25  }
0x4b: {  	v25 =	vadd.s32 v0, v25;
	_ =	sdelay $0x4  }
0x4c: {  	v25 =	vld.idx.msk [tilespmem:v25+s10+$0x0], $0xffff;
	_ =	sdelay $0x2  }
0x4d: {  	s24 =	simm.s32 $0x10  }
0x4e: {  	s4 =	sand.u32 $0x70, s24  }
0x4f: {  	v26 =	vmov s4;
	v27 =	vshll.u32 v25, $0x4  }
0x50: {  	v25 =	vmul.u32 $0xD0, v26;
	v26 =	vadd.s32 v1, v27  }
0x51: {  	s25 =	sadd.s32 $0x0, s22;
	v26 =	vand.u32 $0xFFFFFFF8, v26  }
0x52: {  	v28 =	vmov s25;
	v25 =	vbroadcast v25, $0x0;
	v26 =	vor.u32 v2, v26  }
0x53: {  	v29 =	vand.u32 $0x1F8, v28  }
0x54: {  	v28 =	vand.u32 $0x7, v28;
	v25 =	vadd.s32 v29, v25  }
0x55: {  	v25 =	vor.u32 v28, v25  }
0x56: {  	v28 =	vadd.s32 v3, v27;
	v25 =	vadd.s32 v0, v25  }
0x57: {  	v28 =	vand.u32 $0xFFFFFFF8, v28;
	v26 =	vld.idx.msk [tilespmem:v26+s3+$0x0], $0xffff  }
0x58: {  	v28 =	vor.u32 v4, v28;
	_ =	sdelay $0x1  }
0x59: {  	s26 =	simm.s32 $0x0  }
0x5a: {  	s24 =	sor.u32 s0, s26;
	v25 =	vld.idx.msk [tilespmem:v25+s10+$0x0], $0xffff  }
0x5b: {  	[tilespmem:s24+$0xE900] =	vst v26;
	v26 =	vadd.s32 v5, v27  }
0x5c: {  	v28 =	vld.idx.msk [tilespmem:v28+s3+$0x0], $0xffff;
	v26 =	vand.u32 $0xFFFFFFF8, v26  }
0x5d: {  	s1 =	simm.s32 $0x20;
	v26 =	vor.u32 v6, v26  }
0x5e: {  	s1 =	sand.u32 $0x70, s1  }
0x5f: {  	v29 =	vmov s1;
	v25 =	vshll.u32 v25, $0x4  }
0x60: {  	s8 =	sadd.s32 $0x0, s22;
	v29 =	vmul.u32 $0xD0, v29;
	v30 =	vadd.s32 v1, v25  }
0x61: {  	v31 =	vmov s8;
	[tilespmem:s24+$0xE980] =	vst v28;
	v28 =	vand.u32 $0xFFFFFFF8, v30;
	v30 =	vadd.s32 v7, v27  }
0x62: {  	v29 =	vbroadcast v29, $0x0;
	v26 =	vld.idx.msk [tilespmem:v26+s3+$0x0], $0xffff;
	v28 =	vor.u32 v2, v28;
	v30 =	vand.u32 $0xFFFFFFF8, v30  }
0x63: {  	v32 =	vand.u32 $0x1F8, v31;
	v30 =	vor.u32 v8, v30  }
0x64: {  	v31 =	vand.u32 $0x7, v31;
	v29 =	vadd.s32 v32, v29  }
0x65: {  	v29 =	vor.u32 v31, v29  }
0x66: {  	v29 =	vadd.s32 v0, v29;
	v31 =	vadd.s32 v3, v25  }
0x67: {  	v28 =	vld.idx.msk [tilespmem:v28+s3+$0x0], $0xffff;
	[tilespmem:s24+$0xEA00] =	vst v26;
	v26 =	vand.u32 $0xFFFFFFF8, v31;
	v31 =	vadd.s32 v9, v27  }
0x68: {  	v30 =	vld.idx.msk [tilespmem:v30+s3+$0x0], $0xffff;
	v26 =	vor.u32 v4, v26;
	v31 =	vand.u32 $0xFFFFFFF8, v31  }
0x69: {  	v31 =	vor.u32 v10, v31  }
0x6a: {  	s9 =	simm.s32 $0x0  }
0x6b: {  	s23 =	sor.u32 s4, s9;
	v29 =	vld.idx.msk [tilespmem:v29+s10+$0x0], $0xffff  }
0x6c: {  	[tilespmem:s23+$0xE900] =	vst v28;
	v28 =	vadd.s32 v5, v25  }
0x6d: {  	v59 =	vld.idx.msk [tilespmem:v26+s3+$0x0], $0xffff;
	[tilespmem:s24+$0xEA80] =	vst v30;
	v26 =	vand.u32 $0xFFFFFFF8, v28;
	v28 =	vadd.s32 v11, v27  }
0x6e: {  	s17 =	simm.s32 $0x30;
	v30 =	vld.idx.msk [tilespmem:v31+s3+$0x0], $0xffff;
	v31 =	vor.u32 v6, v26;
	v26 =	vand.u32 $0xFFFFFFF8, v28  }
0x6f: {  	s0 =	sand.u32 $0x70, s17;
	v33 =	vor.u32 v12, v26  }
0x70: {  	v28 =	vmov s0;
	v26 =	vshll.u32 v29, $0x4  }
0x71: {  	v61 =	vadd.s32 v7, v25;
	v28 =	vmul.u32 $0xD0, v28;
	v34 =	vadd.s32 v1, v26  }
0x72: {  	s18 =	sadd.s32 $0x0, s22;
	v63 =	vadd.s32 v13, v27;
	v62 =	vand.u32 $0xFFFFFFF8, v61;
	v60 =	vand.u32 $0xFFFFFFF8, v34;
	[tilespmem:s23+$0xE980] =	vst v59  }
0x73: {  	v29 =	vmov s18;
	v28 =	vbroadcast v28, $0x0;
	v31 =	vld.idx.msk [tilespmem:v31+s3+$0x0], $0xffff;
	[tilespmem:s24+$0xEB00] =	vst v30;
	v30 =	vor.u32 v2, v60  }
0x74: {  	v32 =	vor.u32 v8, v62;
	v35 =	vand.u32 $0x1F8, v29;
	v34 =	vand.u32 $0xFFFFFFF8, v63;
	v33 =	vld.idx.msk [tilespmem:v33+s3+$0x0], $0xffff  }
0x75: {  	v29 =	vand.u32 $0x7, v29;
	v34 =	vor.u32 v14, v34;
	v28 =	vadd.s32 v35, v28  }
0x76: {  	v28 =	vor.u32 v29, v28  }
0x77: {  	v29 =	vadd.s32 v3, v26;
	v28 =	vadd.s32 v0, v28  }
0x78: {  	v29 =	vand.u32 $0xFFFFFFF8, v29;
	v30 =	vld.idx.msk [tilespmem:v30+s3+$0x0], $0xffff;
	[tilespmem:s23+$0xEA00] =	vst v31;
	v31 =	vadd.s32 v9, v25  }
0x79: {  	v36 =	vadd.s32 v15, v27;
	v29 =	vor.u32 v4, v29;
	v32 =	vld.idx.msk [tilespmem:v32+s3+$0x0], $0xffff;
	[tilespmem:s24+$0xEB80] =	vst v33;
	v31 =	vand.u32 $0xFFFFFFF8, v31  }
0x7a: {  	v33 =	vand.u32 $0xFFFFFFF8, v36;
	v34 =	vld.idx.msk [tilespmem:v34+s3+$0x0], $0xffff;
	v31 =	vor.u32 v10, v31  }
0x7b: {  	s25 =	simm.s32 $0x0;
	v33 =	vor.u32 v16, v33  }
0x7c: {  	s25 =	sor.u32 s1, s25;
	v28 =	vld.idx.msk [tilespmem:v28+s10+$0x0], $0xffff  }
0x7d: {  	s26 =	simm.s32 $0x40;
	[tilespmem:s25+$0xE900] =	vst v30;
	v30 =	vadd.s32 v5, v26  }
0x7e: {  	v39 =	vadd.s32 v17, v27;
	s1 =	sand.u32 $0x70, s26;
	v38 =	vadd.s32 v11, v25;
	v29 =	vld.idx.msk [tilespmem:v29+s3+$0x0], $0xffff;
	[tilespmem:s23+$0xEA80] =	vst v32;
	v30 =	vand.u32 $0xFFFFFFF8, v30  }
0x7f: {  	v37 =	vmov s1;
	v32 =	vand.u32 $0xFFFFFFF8, v38;
	v31 =	vld.idx.msk [tilespmem:v31+s3+$0x0], $0xffff;
	[tilespmem:s24+$0xEC00] =	vst v34;
	v30 =	vor.u32 v6, v30  }
0x80: {  	v41 =	vadd.s32 v13, v25;
	v32 =	vor.u32 v12, v32;
	v34 =	vand.u32 $0xFFFFFFF8, v39;
	v33 =	vld.idx.msk [tilespmem:v33+s3+$0x0], $0xffff  }
0x81: {  	v35 =	vmul.u32 $0xD0, v37;
	v28 =	vshll.u32 v28, $0x4;
	v34 =	vor.u32 v2, v34  }
0x82: {  	v43 =	vadd.s32 v18, v27;
	v42 =	vand.u32 $0xFFFFFFF8, v41;
	v38 =	vadd.s32 v1, v28  }
0x83: {  	s26 =	sadd.s32 $0x0, s22;
	v40 =	vadd.s32 v7, v26;
	v35 =	vbroadcast v35, $0x0;
	[tilespmem:s25+$0xE980] =	vst v29;
	v29 =	vand.u32 $0xFFFFFFF8, v38  }
0x84: {  	v36 =	vmov s26;
	v30 =	vld.idx.msk [tilespmem:v30+s3+$0x0], $0xffff;
	[tilespmem:s23+$0xEB00] =	vst v31;
	v29 =	vor.u32 v2, v29;
	v31 =	vand.u32 $0xFFFFFFF8, v40  }
0x85: {  	v37 =	vand.u32 $0x7, v36;
	v36 =	vand.u32 $0x1F8, v36;
	v32 =	vld.idx.msk [tilespmem:v32+s3+$0x0], $0xffff;
	[tilespmem:s24+$0xEC80] =	vst v33;
	v31 =	vor.u32 v8, v31  }
0x86: {  	v44 =	vand.u32 $0xFFFFFFF8, v43;
	v35 =	vadd.s32 v36, v35;
	v33 =	vor.u32 v14, v42;
	v34 =	vld.idx.msk [tilespmem:v34+s3+$0x0], $0xffff  }
0x87: {  	s8 =	simm.s32 $0x50;
	v36 =	vor.u32 v4, v44;
	v35 =	vor.u32 v37, v35  }
0x88: {  	s29 =	sand.u32 $0x70, s8;
	v35 =	vadd.s32 v0, v35;
	v45 =	vadd.s32 v3, v28  }
0x89: {  	v51 =	vmov s29;
	v46 =	vadd.s32 v9, v26;
	v29 =	vld.idx.msk [tilespmem:v29+s3+$0x0], $0xffff;
	[tilespmem:s25+$0xEA00] =	vst v30;
	v30 =	vand.u32 $0xFFFFFFF8, v45  }
0x8a: {  	v48 =	vadd.s32 v15, v25;
	v47 =	vand.u32 $0xFFFFFFF8, v46;
	v31 =	vld.idx.msk [tilespmem:v31+s3+$0x0], $0xffff;
	[tilespmem:s23+$0xEB80] =	vst v32;
	v30 =	vor.u32 v4, v30  }
0x8b: {  	v50 =	vadd.s32 v19, v27;
	v49 =	vand.u32 $0xFFFFFFF8, v48;
	v32 =	vor.u32 v10, v47;
	v33 =	vld.idx.msk [tilespmem:v33+s3+$0x0], $0xffff;
	[tilespmem:s24+$0x12900] =	vst v34  }
0x8c: {  	s9 =	simm.s32 $0x0;
	v62 =	vadd.s32 v13, v26;
	v37 =	vand.u32 $0xFFFFFFF8, v50;
	v34 =	vor.u32 v16, v49;
	v36 =	vld.idx.msk [tilespmem:v36+s3+$0x0], $0xffff  }
0x8d: {  	s28 =	sadd.s32 $0x0, s22;
	v48 =	vadd.s32 v15, v26;
	v63 =	vadd.s32 v18, v25;
	s26 =	sor.u32 s0, s9;
	v37 =	vor.u32 v6, v37;
	v35 =	vld.idx.msk [tilespmem:v35+s10+$0x0], $0xffff  }
0x8e: {  	v50 =	vadd.s32 v19, v25;
	v39 =	vmov s28;
	[tilespmem:s26+$0xE900] =	vst v29;
	v29 =	vadd.s32 v5, v28  }
0x8f: {  	v55 =	vand.u32 $0x1F8, v39;
	v30 =	vld.idx.msk [tilespmem:v30+s3+$0x0], $0xffff;
	[tilespmem:s25+$0xEA80] =	vst v31;
	v29 =	vand.u32 $0xFFFFFFF8, v29;
	v31 =	vadd.s32 v11, v26  }
0x90: {  	v32 =	vld.idx.msk [tilespmem:v32+s3+$0x0], $0xffff;
	[tilespmem:s23+$0xEC00] =	vst v33;
	v52 =	vor.u32 v6, v29;
	v29 =	vand.u32 $0xFFFFFFF8, v31;
	v31 =	vadd.s32 v17, v25  }
0x91: {  	v34 =	vld.idx.msk [tilespmem:v34+s3+$0x0], $0xffff;
	v40 =	vor.u32 v12, v29;
	v29 =	vand.u32 $0xFFFFFFF8, v31;
	[tilespmem:s24+$0x12980] =	vst v36;
	v31 =	vadd.s32 v20, v27  }
0x92: {  	v53 =	vor.u32 v2, v29;
	v29 =	vshll.u32 v35, $0x4;
	v54 =	vld.idx.msk [tilespmem:v37+s3+$0x0], $0xffff;
	v31 =	vand.u32 $0xFFFFFFF8, v31  }
0x93: {  	v57 =	vand.u32 $0x7, v39;
	v41 =	vadd.s32 v1, v29;
	v31 =	vor.u32 v8, v31  }
0x94: {  	v58 =	vadd.s32 v7, v28;
	v38 =	vmul.u32 $0xD0, v51;
	[tilespmem:s26+$0xE980] =	vst v30;
	v56 =	vand.u32 $0xFFFFFFF8, v41  }
0x95: {  	v60 =	vand.u32 $0xFFFFFFF8, v58;
	v58 =	vadd.s32 v11, v28;
	v33 =	vld.idx.msk [tilespmem:v52+s3+$0x0], $0xffff;
	[tilespmem:s25+$0xEB00] =	vst v32;
	v59 =	vor.u32 v2, v56  }
0x96: {  	v38 =	vbroadcast v38, $0x0;
	v37 =	vor.u32 v8, v60;
	v61 =	vld.idx.msk [tilespmem:v40+s3+$0x0], $0xffff;
	[tilespmem:s23+$0xEC80] =	vst v34;
	v40 =	vand.u32 $0xFFFFFFF8, v62  }
0x97: {  	v45 =	vadd.s32 v21, v27;
	v34 =	vand.u32 $0xFFFFFFF8, v63;
	v36 =	vld.idx.msk [tilespmem:v53+s3+$0x0], $0xffff;
	[tilespmem:s24+$0x12A00] =	vst v54;
	v44 =	vor.u32 v14, v40  }
0x98: {  	v30 =	vadd.s32 v55, v38;
	v34 =	vor.u32 v4, v34;
	v40 =	vand.u32 $0xFFFFFFF8, v45;
	v31 =	vld.idx.msk [tilespmem:v31+s3+$0x0], $0xffff  }
0x99: {  	v46 =	vadd.s32 v3, v29;
	v30 =	vor.u32 v57, v30;
	v40 =	vor.u32 v10, v40  }
0x9a: {  	v47 =	vadd.s32 v9, v28;
	v38 =	vand.u32 $0xFFFFFFF8, v46;
	v30 =	vadd.s32 v0, v30;
	v32 =	vld.idx.msk [tilespmem:v59+s3+$0x0], $0xffff;
	[tilespmem:s26+$0xEA00] =	vst v33  }
0x9b: {  	v49 =	vand.u32 $0xFFFFFFF8, v48;
	v38 =	vor.u32 v4, v38;
	v33 =	vand.u32 $0xFFFFFFF8, v47;
	v37 =	vld.idx.msk [tilespmem:v37+s3+$0x0], $0xffff;
	[tilespmem:s25+$0xEB80] =	vst v61  }
0x9c: {  	v51 =	vor.u32 v16, v49;
	v33 =	vor.u32 v10, v33;
	v35 =	vld.idx.msk [tilespmem:v44+s3+$0x0], $0xffff;
	[tilespmem:s23+$0x12900] =	vst v36  }
0x9d: {  	s31 =	simm.s32 $0x60;
	s17 =	simm.s32 $0x0;
	v46 =	vadd.s32 v17, v26;
	v52 =	vand.u32 $0xFFFFFFF8, v50;
	v34 =	vld.idx.msk [tilespmem:v34+s3+$0x0], $0xffff;
	[tilespmem:s24+$0x12A80] =	vst v31;
	v31 =	vadd.s32 v22, v27  }
0x9e: {  	s30 =	sand.u32 $0x70, s31;
	s28 =	sor.u32 s1, s17;
	v56 =	vadd.s32 v5, v29;
	v42 =	vor.u32 v6, v52;
	v43 =	vld.idx.msk [tilespmem:v40+s3+$0x0], $0xffff;
	v31 =	vand.u32 $0xFFFFFFF8, v31  }
0x9f: {  	v60 =	vand.u32 $0xFFFFFFF8, v46;
	v53 =	vmov s30;
	v30 =	vld.idx.msk [tilespmem:v30+s10+$0x0], $0xffff;
	[tilespmem:s28+$0xE900] =	vst v32;
	v55 =	vor.u32 v12, v31  }
0xa0: {  	v57 =	vand.u32 $0xFFFFFFF8, v56;
	v63 =	vadd.s32 v23, v27;
	v54 =	vmul.u32 $0xD0, v53;
	v45 =	vld.idx.msk [tilespmem:v38+s3+$0x0], $0xffff;
	[tilespmem:s26+$0xEA80] =	vst v37  }
0xa1: {  	v46 =	vand.u32 $0xFFFFFFF8, v63;
	v59 =	vand.u32 $0xFFFFFFF8, v58;
	v40 =	vor.u32 v6, v57;
	v38 =	vld.idx.msk [tilespmem:v33+s3+$0x0], $0xffff;
	[tilespmem:s25+$0xEC00] =	vst v35  }
0xa2: {  	s18 =	sadd.s32 $0x0, s22;
	v41 =	vbroadcast v54, $0x0;
	v39 =	vor.u32 v12, v59;
	v61 =	vadd.s32 v20, v25;
	v35 =	vld.idx.msk [tilespmem:v51+s3+$0x0], $0xffff;
	[tilespmem:s23+$0x12980] =	vst v34  }
0xa3: {  	v44 =	vmov s18;
	v36 =	vor.u32 v2, v60;
	v62 =	vand.u32 $0xFFFFFFF8, v61;
	v37 =	vld.idx.msk [tilespmem:v42+s3+$0x0], $0xffff;
	[tilespmem:s24+$0x12B00] =	vst v43  }
0xa4: {  	v31 =	vand.u32 $0x7, v44;
	v30 =	vshll.u32 v30, $0x4;
	v34 =	vor.u32 v8, v62;
	v33 =	vld.idx.msk [tilespmem:v55+s3+$0x0], $0xffff  }
0xa5: {  	s4 =	simm.s32 $0x7;
	s0 =	simm.s32 $0x0;
	s1 =	simm.s32 $0x0;
	v32 =	vor.u32 v14, v46;
	v43 =	vand.u32 $0x1F8, v44;
	v42 =	vadd.s32 v1, v30;
	[tilespmem:s28+$0xE980] =	vst v45  }
.LBB2_6:
0xa6: {  	p1 =	sne.s32 s4, $0x7F;
	v41 =	vadd.s32 v43, v41;
	v42 =	vand.u32 $0xFFFFFFF8, v42;
	v40 =	vld.idx.msk [tilespmem:v40+s3+$0x0], $0xffff;
	v43 =	vadd.s32 v7, v29;
	[tilespmem:s26+$0xEB00] =	vst v38  }
0xa7: {  	v38 =	vor.u32 v2, v42;
	v42 =	vand.u32 $0xFFFFFFF8, v43;
	v39 =	vld.idx.msk [tilespmem:v39+s3+$0x0], $0xffff;
	v43 =	vadd.s32 v13, v28;
	[tilespmem:s25+$0xEC80] =	vst v35  }
0xa8: {  	v35 =	vor.u32 v8, v42;
	v42 =	vand.u32 $0xFFFFFFF8, v43;
	v36 =	vld.idx.msk [tilespmem:v36+s3+$0x0], $0xffff;
	v43 =	vadd.s32 v18, v26;
	[tilespmem:s23+$0x12A00] =	vst v37  }
0xa9: {  	v37 =	vor.u32 v14, v42;
	v42 =	vand.u32 $0xFFFFFFF8, v43;
	v34 =	vld.idx.msk [tilespmem:v34+s3+$0x0], $0xffff;
	v43 =	vadd.s32 v21, v25;
	[tilespmem:s24+$0x12B80] =	vst v33  }
0xaa: {  	v33 =	vor.u32 v4, v42;
	v42 =	vand.u32 $0xFFFFFFF8, v43;
	v32 =	vld.idx.msk [tilespmem:v32+s3+$0x0], $0xffff;
	v43 =	vadd.s32 v24, v27;
	v27 =	vmovc v25  }
0xab: {  	v31 =	vor.u32 v31, v41;
	v25 =	vmovc v26;
	v26 =	vmovc v28;
	v41 =	vor.u32 v10, v42;
	v42 =	vand.u32 $0xFFFFFFF8, v43  }
0xac: {  	v28 =	vmov v29;
	v43 =	vadd.s32 v3, v30;
	v38 =	vld.idx.msk [tilespmem:v38+s3+$0x0], $0xffff;
	[tilespmem:s28+$0xEA00] =	vst v40;
	v40 =	vor.u32 v16, v42  }
0xad: {  	v31 =	vadd.s32 v0, v31;
	v29 =	vand.u32 $0xFFFFFFF8, v43;
	v42 =	vadd.s32 v9, v28;
	v35 =	vld.idx.msk [tilespmem:v35+s3+$0x0], $0xffff;
	[tilespmem:s26+$0xEB80] =	vst v39  }
0xae: {  	v39 =	vor.u32 v4, v29;
	v29 =	vand.u32 $0xFFFFFFF8, v42;
	v42 =	vadd.s32 v15, v26;
	v37 =	vld.idx.msk [tilespmem:v37+s3+$0x0], $0xffff;
	[tilespmem:s25+$0x12900] =	vst v36  }
0xaf: {  	s31 =	sadd.s32 $0x10, s31;
	v36 =	vor.u32 v10, v29;
	v46 =	vand.u32 $0xFFFFFFF8, v42;
	v42 =	vadd.s32 v19, v25;
	v33 =	vld.idx.msk [tilespmem:v33+s3+$0x0], $0xffff;
	[tilespmem:s23+$0x12A80] =	vst v34  }
0xb0: {  	s8 =	sshrl.u32 s4, $0x3;
	s0 =	sshll.u32 s0, $0xA;
	s9 =	sand.u32 $0x70, s31;
	v34 =	vor.u32 v16, v46;
	v45 =	vand.u32 $0xFFFFFFF8, v42;
	v42 =	vld.idx.msk [tilespmem:v41+s3+$0x0], $0xffff;
	v41 =	vadd.s32 v22, v27;
	[tilespmem:s24+$0x12C00] =	vst v32  }
0xb1: {  	s17 =	sadd.s32 s22, s8;
	s18 =	sor.u32 s29, s0;
	s0 =	smov.u32 s1;
	v32 =	vmov s9;
	v43 =	vor.u32 v6, v45;
	v29 =	vmovc v30;
	v41 =	vand.u32 $0xFFFFFFF8, v41;
	v44 =	vld.idx.msk [tilespmem:v40+s3+$0x0], $0xffff  }
0xb2: {  	s1 =	smov.u32 s8;
	s29 =	smov.u32 s30;
	s30 =	smov.u32 s9;
	v45 =	vmov s17;
	v30 =	vmul.u32 $0xD0, v32;
	v32 =	vld.idx.msk [tilespmem:v31+s10+$0x0], $0xffff;
	[tilespmem:s18+$0xE900] =	vst v38;
	v46 =	vor.u32 v12, v41  }
0xb3: {  	v31 =	vand.u32 $0x7, v45;
	v38 =	vadd.s32 v5, v29;
	v47 =	vld.idx.msk [tilespmem:v39+s3+$0x0], $0xffff;
	[tilespmem:s28+$0xEA80] =	vst v35  }
0xb4: {  	v41 =	vbroadcast v30, $0x0;
	v30 =	vand.u32 $0xFFFFFFF8, v38;
	v35 =	vadd.s32 v11, v28;
	v38 =	vld.idx.msk [tilespmem:v36+s3+$0x0], $0xffff;
	[tilespmem:s26+$0xEC00] =	vst v37  }
.Ltmp6:
0xb5: {  	v40 =	vor.u32 v6, v30;
	v30 =	vand.u32 $0xFFFFFFF8, v35;
	v35 =	vld.idx.msk [tilespmem:v34+s3+$0x0], $0xffff;
	v34 =	vadd.s32 v17, v26;
	[tilespmem:s25+$0x12980] =	vst v33;
	(pc) =	sbr.rel @p1 .LBB2_6-.Ltmp6, $4  }
0xb6: {  	v39 =	vor.u32 v12, v30;
	v33 =	vadd.s32 v20, v25;
	v30 =	vand.u32 $0xFFFFFFF8, v34;
	v37 =	vld.idx.msk [tilespmem:v43+s3+$0x0], $0xffff;
	[tilespmem:s23+$0x12B00] =	vst v42  }
0xb7: {  	v34 =	vand.u32 $0xFFFFFFF8, v33;
	v42 =	vadd.s32 v23, v27;
	v36 =	vor.u32 v2, v30;
	v33 =	vld.idx.msk [tilespmem:v46+s3+$0x0], $0xffff;
	[tilespmem:s24+$0x12C80] =	vst v44;
	s24 =	smov.u32 s23;
	s23 =	smov.u32 s25;
	s25 =	smov.u32 s26  }
0xb8: {  	v30 =	vshll.u32 v32, $0x4;
	v34 =	vor.u32 v8, v34;
	v32 =	vand.u32 $0xFFFFFFF8, v42;
	s26 =	smov.u32 s28;
	s28 =	smov.u32 s18  }
0xb9: {  	s4 =	sadd.s32 $0x1, s4;
	v43 =	vand.u32 $0x1F8, v45;
	v42 =	vadd.s32 v1, v30;
	v32 =	vor.u32 v14, v32;
	[tilespmem:s28+$0xE980] =	vst v47  }
0xba: {  	v41 =	vadd.s32 v43, v41  }
0xbb: {  	v31 =	vor.u32 v31, v41  }
0xbc: {  	v31 =	vadd.s32 v0, v31;
	_ =	sdelay $0x4  }
0xbd: {  	v31 =	vld.idx.msk [tilespmem:v31+s10+$0x0], $0xffff;
	_ =	sdelay $0x4  }
0xbe: {  	v31 =	vshll.u32 v31, $0x4  }
0xbf: {  	v59 =	vand.u32 $0xFFFFFFF8, v42;
	v60 =	vadd.s32 v1, v31  }
0xc0: {  	v41 =	vor.u32 v2, v59;
	v42 =	vand.u32 $0xFFFFFFF8, v60  }
0xc1: {  	v42 =	vor.u32 v2, v42;
	_ =	sdelay $0x2  }
0xc2: {  	v61 =	vadd.s32 v3, v30  }
0xc3: {  	v43 =	vand.u32 $0xFFFFFFF8, v61;
	v41 =	vld.idx.msk [tilespmem:v41+s3+$0x0], $0xffff;
	v44 =	vadd.s32 v3, v31  }
0xc4: {  	v43 =	vor.u32 v4, v43;
	v44 =	vand.u32 $0xFFFFFFF8, v44;
	v42 =	vld.idx.msk [tilespmem:v42+s3+$0x0], $0xffff  }
0xc5: {  	v44 =	vor.u32 v4, v44  }
0xc6: {  	s0 =	sshll.u32 s0, $0xA  }
0xc7: {  	s18 =	sshll.u32 s1, $0xA;
	s29 =	sor.u32 s29, s0  }
0xc8: {  	v62 =	vadd.s32 v5, v30;
	s30 =	sor.u32 s30, s18;
	[tilespmem:s29+$0xE900] =	vst v41  }
0xc9: {  	v41 =	vand.u32 $0xFFFFFFF8, v62;
	v43 =	vld.idx.msk [tilespmem:v43+s3+$0x0], $0xffff;
	v63 =	vadd.s32 v5, v31;
	[tilespmem:s30+$0xE900] =	vst v42  }
0xca: {  	v41 =	vor.u32 v6, v41;
	v42 =	vand.u32 $0xFFFFFFF8, v63;
	v44 =	vld.idx.msk [tilespmem:v44+s3+$0x0], $0xffff  }
0xcb: {  	v42 =	vor.u32 v6, v42;
	_ =	sdelay $0x1  }
0xcc: {  	v45 =	vadd.s32 v7, v29  }
0xcd: {  	v40 =	vld.idx.msk [tilespmem:v40+s3+$0x0], $0xffff;
	v48 =	vadd.s32 v7, v30;
	v45 =	vand.u32 $0xFFFFFFF8, v45;
	[tilespmem:s29+$0xE980] =	vst v43  }
0xce: {  	v45 =	vor.u32 v8, v45;
	v49 =	vadd.s32 v7, v31;
	v43 =	vand.u32 $0xFFFFFFF8, v48;
	v41 =	vld.idx.msk [tilespmem:v41+s3+$0x0], $0xffff;
	[tilespmem:s30+$0xE980] =	vst v44  }
0xcf: {  	v43 =	vor.u32 v8, v43;
	v44 =	vand.u32 $0xFFFFFFF8, v49;
	v42 =	vld.idx.msk [tilespmem:v42+s3+$0x0], $0xffff  }
0xd0: {  	v44 =	vor.u32 v8, v44;
	_ =	sdelay $0x1  }
0xd1: {  	v50 =	vadd.s32 v9, v29;
	[tilespmem:s28+$0xEA00] =	vst v40  }
0xd2: {  	v51 =	vadd.s32 v9, v30;
	v40 =	vand.u32 $0xFFFFFFF8, v50;
	v45 =	vld.idx.msk [tilespmem:v45+s3+$0x0], $0xffff;
	[tilespmem:s29+$0xEA00] =	vst v41  }
0xd3: {  	v40 =	vor.u32 v10, v40;
	v52 =	vadd.s32 v9, v31;
	v41 =	vand.u32 $0xFFFFFFF8, v51;
	v43 =	vld.idx.msk [tilespmem:v43+s3+$0x0], $0xffff;
	[tilespmem:s30+$0xEA00] =	vst v42  }
0xd4: {  	v41 =	vor.u32 v10, v41;
	v42 =	vand.u32 $0xFFFFFFF8, v52;
	v44 =	vld.idx.msk [tilespmem:v44+s3+$0x0], $0xffff  }
0xd5: {  	v42 =	vor.u32 v10, v42;
	_ =	sdelay $0x1  }
0xd6: {  	v53 =	vadd.s32 v11, v29;
	[tilespmem:s28+$0xEA80] =	vst v45  }
0xd7: {  	v54 =	vadd.s32 v11, v30;
	v45 =	vand.u32 $0xFFFFFFF8, v53;
	v40 =	vld.idx.msk [tilespmem:v40+s3+$0x0], $0xffff;
	[tilespmem:s29+$0xEA80] =	vst v43  }
0xd8: {  	v45 =	vor.u32 v12, v45;
	v55 =	vadd.s32 v11, v31;
	v43 =	vand.u32 $0xFFFFFFF8, v54;
	v41 =	vld.idx.msk [tilespmem:v41+s3+$0x0], $0xffff;
	[tilespmem:s30+$0xEA80] =	vst v44  }
0xd9: {  	v43 =	vor.u32 v12, v43;
	v44 =	vand.u32 $0xFFFFFFF8, v55;
	v42 =	vld.idx.msk [tilespmem:v42+s3+$0x0], $0xffff  }
0xda: {  	v44 =	vor.u32 v12, v44  }
0xdb: {  	[tilespmem:s26+$0xEB00] =	vst v38;
	v56 =	vadd.s32 v13, v28  }
0xdc: {  	v57 =	vadd.s32 v13, v29;
	v39 =	vld.idx.msk [tilespmem:v39+s3+$0x0], $0xffff;
	v38 =	vand.u32 $0xFFFFFFF8, v56;
	[tilespmem:s28+$0xEB00] =	vst v40  }
0xdd: {  	v58 =	vadd.s32 v13, v30;
	v38 =	vor.u32 v14, v38;
	v40 =	vand.u32 $0xFFFFFFF8, v57;
	v45 =	vld.idx.msk [tilespmem:v45+s3+$0x0], $0xffff;
	[tilespmem:s29+$0xEB00] =	vst v41  }
0xde: {  	v59 =	vadd.s32 v13, v31;
	v40 =	vor.u32 v14, v40;
	v41 =	vand.u32 $0xFFFFFFF8, v58;
	v43 =	vld.idx.msk [tilespmem:v43+s3+$0x0], $0xffff;
	[tilespmem:s30+$0xEB00] =	vst v42  }
0xdf: {  	v41 =	vor.u32 v14, v41;
	v42 =	vand.u32 $0xFFFFFFF8, v59;
	v44 =	vld.idx.msk [tilespmem:v44+s3+$0x0], $0xffff  }
0xe0: {  	v42 =	vor.u32 v14, v42  }
0xe1: {  	[tilespmem:s26+$0xEB80] =	vst v39;
	v60 =	vadd.s32 v15, v28  }
0xe2: {  	v61 =	vadd.s32 v15, v29;
	v38 =	vld.idx.msk [tilespmem:v38+s3+$0x0], $0xffff;
	v39 =	vand.u32 $0xFFFFFFF8, v60;
	[tilespmem:s28+$0xEB80] =	vst v45  }
0xe3: {  	v62 =	vadd.s32 v15, v30;
	v39 =	vor.u32 v16, v39;
	v45 =	vand.u32 $0xFFFFFFF8, v61;
	v40 =	vld.idx.msk [tilespmem:v40+s3+$0x0], $0xffff;
	[tilespmem:s29+$0xEB80] =	vst v43  }
0xe4: {  	v45 =	vor.u32 v16, v45;
	v63 =	vadd.s32 v15, v31;
	v43 =	vand.u32 $0xFFFFFFF8, v62;
	v41 =	vld.idx.msk [tilespmem:v41+s3+$0x0], $0xffff;
	[tilespmem:s30+$0xEB80] =	vst v44  }
0xe5: {  	v43 =	vor.u32 v16, v43;
	v44 =	vand.u32 $0xFFFFFFF8, v63;
	v42 =	vld.idx.msk [tilespmem:v42+s3+$0x0], $0xffff  }
0xe6: {  	v44 =	vor.u32 v16, v44  }
0xe7: {  	[tilespmem:s26+$0xEC00] =	vst v38;
	v48 =	vadd.s32 v17, v28  }
0xe8: {  	v38 =	vand.u32 $0xFFFFFFF8, v48;
	v39 =	vld.idx.msk [tilespmem:v39+s3+$0x0], $0xffff;
	[tilespmem:s28+$0xEC00] =	vst v40;
	v49 =	vadd.s32 v17, v29  }
0xe9: {  	v50 =	vadd.s32 v17, v30;
	v38 =	vor.u32 v2, v38;
	v45 =	vld.idx.msk [tilespmem:v45+s3+$0x0], $0xffff;
	v40 =	vand.u32 $0xFFFFFFF8, v49;
	[tilespmem:s29+$0xEC00] =	vst v41  }
0xea: {  	v51 =	vadd.s32 v17, v31;
	v40 =	vor.u32 v2, v40;
	v41 =	vand.u32 $0xFFFFFFF8, v50;
	v43 =	vld.idx.msk [tilespmem:v43+s3+$0x0], $0xffff;
	[tilespmem:s30+$0xEC00] =	vst v42  }
0xeb: {  	[tilespmem:s25+$0xEC80] =	vst v35;
	v52 =	vor.u32 v2, v41;
	v42 =	vand.u32 $0xFFFFFFF8, v51;
	v53 =	vld.idx.msk [tilespmem:v44+s3+$0x0], $0xffff  }
0xec: {  	[tilespmem:s23+$0x12A00] =	vst v37;
	v54 =	vadd.s32 v18, v26;
	v42 =	vor.u32 v2, v42  }
0xed: {  	v36 =	vld.idx.msk [tilespmem:v36+s3+$0x0], $0xffff;
	[tilespmem:s26+$0xEC80] =	vst v39;
	v37 =	vand.u32 $0xFFFFFFF8, v54;
	v55 =	vadd.s32 v18, v28  }
0xee: {  	v56 =	vadd.s32 v18, v29;
	v38 =	vld.idx.msk [tilespmem:v38+s3+$0x0], $0xffff;
	v37 =	vor.u32 v4, v37;
	[tilespmem:s28+$0xEC80] =	vst v45;
	v39 =	vand.u32 $0xFFFFFFF8, v55  }
0xef: {  	v57 =	vadd.s32 v18, v30;
	v40 =	vld.idx.msk [tilespmem:v40+s3+$0x0], $0xffff;
	v39 =	vor.u32 v4, v39;
	[tilespmem:s29+$0xEC80] =	vst v43;
	v44 =	vand.u32 $0xFFFFFFF8, v56  }
0xf0: {  	v58 =	vadd.s32 v18, v31;
	v43 =	vand.u32 $0xFFFFFFF8, v57;
	v35 =	vld.idx.msk [tilespmem:v52+s3+$0x0], $0xffff;
	v44 =	vor.u32 v4, v44;
	[tilespmem:s30+$0xEC80] =	vst v53  }
0xf1: {  	[tilespmem:s24+$0x12B80] =	vst v33;
	v41 =	vand.u32 $0xFFFFFFF8, v58;
	v59 =	vor.u32 v4, v43;
	v42 =	vld.idx.msk [tilespmem:v42+s3+$0x0], $0xffff  }
0xf2: {  	v34 =	vld.idx.msk [tilespmem:v34+s3+$0x0], $0xffff;
	[tilespmem:s25+$0x12900] =	vst v36;
	v60 =	vadd.s32 v19, v26;
	v41 =	vor.u32 v4, v41  }
0xf3: {  	v36 =	vand.u32 $0xFFFFFFF8, v60;
	v61 =	vadd.s32 v19, v28;
	[tilespmem:s26+$0x12900] =	vst v38;
	v37 =	vld.idx.msk [tilespmem:v37+s3+$0x0], $0xffff  }
0xf4: {  	v36 =	vor.u32 v6, v36;
	v38 =	vand.u32 $0xFFFFFFF8, v61;
	v62 =	vadd.s32 v19, v29;
	[tilespmem:s28+$0x12900] =	vst v40;
	v39 =	vld.idx.msk [tilespmem:v39+s3+$0x0], $0xffff  }
0xf5: {  	v38 =	vor.u32 v6, v38;
	v40 =	vand.u32 $0xFFFFFFF8, v62;
	[tilespmem:s29+$0x12900] =	vst v35;
	v63 =	vld.idx.msk [tilespmem:v44+s3+$0x0], $0xffff;
	v44 =	vadd.s32 v19, v30  }
0xf6: {  	v45 =	vadd.s32 v19, v31;
	v40 =	vor.u32 v6, v40;
	v33 =	vld.idx.msk [tilespmem:v59+s3+$0x0], $0xffff;
	v35 =	vand.u32 $0xFFFFFFF8, v44;
	[tilespmem:s30+$0x12900] =	vst v42  }
0xf7: {  	v46 =	vadd.s32 v21, v25;
	[tilespmem:s23+$0x12A80] =	vst v34;
	v35 =	vor.u32 v6, v35;
	v42 =	vand.u32 $0xFFFFFFF8, v45;
	v41 =	vld.idx.msk [tilespmem:v41+s3+$0x0], $0xffff  }
0xf8: {  	v47 =	vadd.s32 v20, v26;
	v32 =	vld.idx.msk [tilespmem:v32+s3+$0x0], $0xffff;
	v34 =	vand.u32 $0xFFFFFFF8, v46;
	[tilespmem:s25+$0x12980] =	vst v37;
	v42 =	vor.u32 v6, v42  }
0xf9: {  	v34 =	vor.u32 v10, v34;
	v48 =	vadd.s32 v20, v28;
	v37 =	vand.u32 $0xFFFFFFF8, v47;
	v36 =	vld.idx.msk [tilespmem:v36+s3+$0x0], $0xffff;
	[tilespmem:s26+$0x12980] =	vst v39  }
0xfa: {  	v49 =	vadd.s32 v20, v29;
	v37 =	vor.u32 v8, v37;
	v39 =	vand.u32 $0xFFFFFFF8, v48;
	v38 =	vld.idx.msk [tilespmem:v38+s3+$0x0], $0xffff;
	[tilespmem:s28+$0x12980] =	vst v63  }
0xfb: {  	v50 =	vadd.s32 v20, v30;
	v43 =	vand.u32 $0xFFFFFFF8, v49;
	v39 =	vor.u32 v8, v39;
	[tilespmem:s29+$0x12980] =	vst v33;
	v40 =	vld.idx.msk [tilespmem:v40+s3+$0x0], $0xffff  }
0xfc: {  	v43 =	vor.u32 v8, v43;
	v51 =	vadd.s32 v20, v31;
	v33 =	vand.u32 $0xFFFFFFF8, v50;
	v35 =	vld.idx.msk [tilespmem:v35+s3+$0x0], $0xffff;
	[tilespmem:s30+$0x12980] =	vst v41  }
0xfd: {  	v27 =	vadd.s32 v24, v27;
	[tilespmem:s24+$0x12C00] =	vst v32;
	v52 =	vor.u32 v8, v33;
	v41 =	vand.u32 $0xFFFFFFF8, v51;
	v53 =	vld.idx.msk [tilespmem:v42+s3+$0x0], $0xffff  }
0xfe: {  	v27 =	vand.u32 $0xFFFFFFF8, v27;
	v34 =	vld.idx.msk [tilespmem:v34+s3+$0x0], $0xffff;
	v54 =	vadd.s32 v21, v26;
	[tilespmem:s25+$0x12A00] =	vst v36;
	v41 =	vor.u32 v8, v41  }
0xff: {  	v27 =	vor.u32 v16, v27;
	v55 =	vadd.s32 v21, v28;
	v36 =	vand.u32 $0xFFFFFFF8, v54;
	v37 =	vld.idx.msk [tilespmem:v37+s3+$0x0], $0xffff;
	[tilespmem:s26+$0x12A00] =	vst v38  }
0x100: {  	v36 =	vor.u32 v10, v36;
	v38 =	vand.u32 $0xFFFFFFF8, v55;
	v39 =	vld.idx.msk [tilespmem:v39+s3+$0x0], $0xffff;
	v56 =	vadd.s32 v21, v29;
	[tilespmem:s28+$0x12A00] =	vst v40  }
0x101: {  	v58 =	vadd.s32 v21, v30;
	v38 =	vor.u32 v10, v38;
	v40 =	vand.u32 $0xFFFFFFF8, v56;
	v57 =	vld.idx.msk [tilespmem:v43+s3+$0x0], $0xffff;
	[tilespmem:s29+$0x12A00] =	vst v35  }
0x102: {  	v59 =	vadd.s32 v21, v31;
	v40 =	vor.u32 v10, v40;
	v35 =	vand.u32 $0xFFFFFFF8, v58;
	v32 =	vld.idx.msk [tilespmem:v52+s3+$0x0], $0xffff;
	[tilespmem:s30+$0x12A00] =	vst v53  }
0x103: {  	v60 =	vadd.s32 v22, v25;
	[tilespmem:s23+$0x12B00] =	vst v34;
	v33 =	vand.u32 $0xFFFFFFF8, v59;
	v61 =	vor.u32 v10, v35;
	v62 =	vld.idx.msk [tilespmem:v41+s3+$0x0], $0xffff  }
0x104: {  	v27 =	vld.idx.msk [tilespmem:v27+s3+$0x0], $0xffff;
	[tilespmem:s25+$0x12A80] =	vst v37;
	v33 =	vor.u32 v10, v33;
	v44 =	vadd.s32 v22, v26;
	v63 =	vand.u32 $0xFFFFFFF8, v60  }
0x105: {  	v36 =	vld.idx.msk [tilespmem:v36+s3+$0x0], $0xffff;
	[tilespmem:s26+$0x12A80] =	vst v39;
	v37 =	vand.u32 $0xFFFFFFF8, v44;
	v45 =	vadd.s32 v22, v28;
	v41 =	vor.u32 v12, v63  }
0x106: {  	v46 =	vadd.s32 v22, v29;
	v38 =	vld.idx.msk [tilespmem:v38+s3+$0x0], $0xffff;
	v37 =	vor.u32 v12, v37;
	v39 =	vand.u32 $0xFFFFFFF8, v45;
	[tilespmem:s28+$0x12A80] =	vst v57  }
0x107: {  	v47 =	vadd.s32 v22, v30;
	v39 =	vor.u32 v12, v39;
	v42 =	vand.u32 $0xFFFFFFF8, v46;
	v40 =	vld.idx.msk [tilespmem:v40+s3+$0x0], $0xffff;
	[tilespmem:s29+$0x12A80] =	vst v32  }
0x108: {  	v48 =	vadd.s32 v22, v31;
	v42 =	vor.u32 v12, v42;
	v32 =	vand.u32 $0xFFFFFFF8, v47;
	v34 =	vld.idx.msk [tilespmem:v61+s3+$0x0], $0xffff;
	[tilespmem:s30+$0x12A80] =	vst v62  }
0x109: {  	[tilespmem:s24+$0x12C80] =	vst v27;
	v49 =	vadd.s32 v23, v25;
	v51 =	vand.u32 $0xFFFFFFF8, v48;
	v27 =	vor.u32 v12, v32;
	v50 =	vld.idx.msk [tilespmem:v33+s3+$0x0], $0xffff  }
0x10a: {  	v54 =	vadd.s32 v23, v26;
	[tilespmem:s25+$0x12B00] =	vst v36;
	v53 =	vand.u32 $0xFFFFFFF8, v49;
	v52 =	vld.idx.msk [tilespmem:v41+s3+$0x0], $0xffff;
	v33 =	vor.u32 v12, v51  }
0x10b: {  	v36 =	vand.u32 $0xFFFFFFF8, v54;
	v55 =	vadd.s32 v23, v28;
	[tilespmem:s26+$0x12B00] =	vst v38;
	v37 =	vld.idx.msk [tilespmem:v37+s3+$0x0], $0xffff;
	v41 =	vor.u32 v14, v53  }
0x10c: {  	v36 =	vor.u32 v14, v36;
	v38 =	vand.u32 $0xFFFFFFF8, v55;
	v56 =	vadd.s32 v23, v29;
	v39 =	vld.idx.msk [tilespmem:v39+s3+$0x0], $0xffff;
	[tilespmem:s28+$0x12B00] =	vst v40  }
0x10d: {  	v38 =	vor.u32 v14, v38;
	v57 =	vadd.s32 v23, v30;
	v40 =	vand.u32 $0xFFFFFFF8, v56;
	v42 =	vld.idx.msk [tilespmem:v42+s3+$0x0], $0xffff;
	[tilespmem:s29+$0x12B00] =	vst v34  }
0x10e: {  	v58 =	vadd.s32 v23, v31;
	v40 =	vor.u32 v14, v40;
	v34 =	vand.u32 $0xFFFFFFF8, v57;
	v27 =	vld.idx.msk [tilespmem:v27+s3+$0x0], $0xffff;
	[tilespmem:s30+$0x12B00] =	vst v50  }
0x10f: {  	v25 =	vadd.s32 v24, v25;
	v32 =	vand.u32 $0xFFFFFFF8, v58;
	v34 =	vor.u32 v14, v34;
	[tilespmem:s23+$0x12B80] =	vst v52;
	v33 =	vld.idx.msk [tilespmem:v33+s3+$0x0], $0xffff  }
0x110: {  	v25 =	vand.u32 $0xFFFFFFF8, v25;
	v26 =	vadd.s32 v24, v26;
	[tilespmem:s25+$0x12B80] =	vst v37;
	v32 =	vor.u32 v14, v32;
	v35 =	vld.idx.msk [tilespmem:v41+s3+$0x0], $0xffff  }
0x111: {  	v25 =	vor.u32 v16, v25;
	v59 =	vadd.s32 v24, v28;
	v26 =	vand.u32 $0xFFFFFFF8, v26;
	v36 =	vld.idx.msk [tilespmem:v36+s3+$0x0], $0xffff;
	[tilespmem:s26+$0x12B80] =	vst v39  }
0x112: {  	v26 =	vor.u32 v16, v26;
	v28 =	vand.u32 $0xFFFFFFF8, v59;
	v60 =	vld.idx.msk [tilespmem:v38+s3+$0x0], $0xffff;
	v61 =	vadd.s32 v24, v29;
	[tilespmem:s28+$0x12B80] =	vst v42  }
0x113: {  	v28 =	vor.u32 v16, v28;
	v29 =	vand.u32 $0xFFFFFFF8, v61;
	v62 =	vld.idx.msk [tilespmem:v40+s3+$0x0], $0xffff;
	[tilespmem:s29+$0x12B80] =	vst v27;
	v27 =	vadd.s32 v24, v30  }
0x114: {  	v31 =	vadd.s32 v24, v31;
	v29 =	vor.u32 v16, v29;
	v63 =	vld.idx.msk [tilespmem:v34+s3+$0x0], $0xffff;
	v27 =	vand.u32 $0xFFFFFFF8, v27;
	[tilespmem:s30+$0x12B80] =	vst v33  }
0x115: {  	v31 =	vand.u32 $0xFFFFFFF8, v31;
	v27 =	vor.u32 v16, v27;
	[tilespmem:s23+$0x12C00] =	vst v35;
	v32 =	vld.idx.msk [tilespmem:v32+s3+$0x0], $0xffff  }
0x116: {  	v31 =	vor.u32 v16, v31;
	[tilespmem:s25+$0x12C00] =	vst v36;
	v25 =	vld.idx.msk [tilespmem:v25+s3+$0x0], $0xffff  }
0x117: {  	v26 =	vld.idx.msk [tilespmem:v26+s3+$0x0], $0xffff;
	[tilespmem:s26+$0x12C00] =	vst v60  }
0x118: {  	v28 =	vld.idx.msk [tilespmem:v28+s3+$0x0], $0xffff;
	[tilespmem:s28+$0x12C00] =	vst v62  }
0x119: {  	v29 =	vld.idx.msk [tilespmem:v29+s3+$0x0], $0xffff;
	[tilespmem:s29+$0x12C00] =	vst v63  }
0x11a: {  	v27 =	vld.idx.msk [tilespmem:v27+s3+$0x0], $0xffff;
	[tilespmem:s30+$0x12C00] =	vst v32  }
0x11b: {  	[tilespmem:s23+$0x12C80] =	vst v25;
	v25 =	vld.idx.msk [tilespmem:v31+s3+$0x0], $0xffff  }
0x11c: {  	[tilespmem:s25+$0x12C80] =	vst v26  }
0x11d: {  	[tilespmem:s26+$0x12C80] =	vst v28;
	s26 =	sshll.u32 s22, $0x10  }
0x11e: {  	s31 =	sor.u32 s5, s26;
	[tilespmem:s28+$0x12C80] =	vst v29  }
0x11f: {  	s0 =	sor.u32 s7, s26;
	s1 =	sshrl.u32 s31, $0x3;
	[tilespmem:s29+$0x12C80] =	vst v27  }
0x120: {  	s0 =	sshrl.u32 s0, $0x3;
	s1 =	sadd.s32 s2, s1;
	[tilespmem:s30+$0x12C80] =	vst v25  }
0x121: {  	[hbm4b:s1+s11] =	stream.strided.scatter [tilespmem:s13], [sflag:$0x1], $0x4000, s12, s11, $0x38;
	[tilespmem:$0x1E900] =	vst v63  }
0x122: {  	s0 =	sadd.s32 s2, s0  }
0x123: {  	[hbm4b:s0+s11] =	stream.strided.scatter [tilespmem:s14], [sflag:$0x1], $0x4000, s12, s11, $0x38;
	[tilespmem:$0x1E900] =	vst v63  }
.LBB2_8:
.Ltmp7:
0x124: {  	(pc) =	sbr.rel @!p0 .LBB2_12-.Ltmp7, $2  }
0x125: {  	_ =	sdelay $0x2  }
0x126: {  	s0 =	simm.s32 $0x0  }
0x127: {  	s0 =	sand.u32 $0x70, s0  }
0x128: {  	v25 =	vmov s0  }
0x129: {  	v25 =	vmul.u32 $0xD0, v25  }
0x12a: {  	s1 =	sadd.s32 $0x0, s22  }
0x12b: {  	v26 =	vmov s1;
	v25 =	vbroadcast v25, $0x0  }
0x12c: {  	v27 =	vand.u32 $0x1F8, v26  }
0x12d: {  	v26 =	vand.u32 $0x7, v26;
	v25 =	vadd.s32 v27, v25  }
0x12e: {  	v25 =	vor.u32 v26, v25  }
0x12f: {  	v25 =	vadd.s32 v0, v25;
	_ =	sdelay $0x4  }
0x130: {  	v25 =	vld.idx.msk [tilespmem:v25+s10+$0x0], $0xffff;
	_ =	sdelay $0x2  }
0x131: {  	s4 =	simm.s32 $0x10  }
0x132: {  	s4 =	sand.u32 $0x70, s4  }
0x133: {  	v26 =	vmov s4;
	v27 =	vshll.u32 v25, $0x4  }
0x134: {  	v25 =	vmul.u32 $0xD0, v26;
	v26 =	vadd.s32 v1, v27  }
0x135: {  	s8 =	sadd.s32 $0x0, s22;
	v26 =	vand.u32 $0xFFFFFFF8, v26  }
0x136: {  	v28 =	vmov s8;
	v25 =	vbroadcast v25, $0x0;
	v26 =	vor.u32 v2, v26  }
0x137: {  	v29 =	vand.u32 $0x1F8, v28  }
0x138: {  	v28 =	vand.u32 $0x7, v28;
	v25 =	vadd.s32 v29, v25  }
0x139: {  	v25 =	vor.u32 v28, v25  }
0x13a: {  	v28 =	vadd.s32 v3, v27;
	v25 =	vadd.s32 v0, v25  }
0x13b: {  	v28 =	vand.u32 $0xFFFFFFF8, v28;
	v26 =	vld.idx.msk [tilespmem:v26+s3+$0x0], $0xffff  }
0x13c: {  	v28 =	vor.u32 v4, v28;
	_ =	sdelay $0x1  }
0x13d: {  	s9 =	simm.s32 $0x0  }
0x13e: {  	s24 =	sor.u32 s0, s9;
	v25 =	vld.idx.msk [tilespmem:v25+s10+$0x0], $0xffff  }
0x13f: {  	[tilespmem:s24+$0x16900] =	vst v26;
	v26 =	vadd.s32 v5, v27  }
0x140: {  	v28 =	vld.idx.msk [tilespmem:v28+s3+$0x0], $0xffff;
	v26 =	vand.u32 $0xFFFFFFF8, v26  }
0x141: {  	s17 =	simm.s32 $0x20;
	v26 =	vor.u32 v6, v26  }
0x142: {  	s18 =	sand.u32 $0x70, s17  }
0x143: {  	v29 =	vmov s18;
	v25 =	vshll.u32 v25, $0x4  }
0x144: {  	s25 =	sadd.s32 $0x0, s22;
	v29 =	vmul.u32 $0xD0, v29;
	v30 =	vadd.s32 v1, v25  }
0x145: {  	v31 =	vmov s25;
	[tilespmem:s24+$0x16980] =	vst v28;
	v28 =	vand.u32 $0xFFFFFFF8, v30;
	v30 =	vadd.s32 v7, v27  }
0x146: {  	v29 =	vbroadcast v29, $0x0;
	v26 =	vld.idx.msk [tilespmem:v26+s3+$0x0], $0xffff;
	v28 =	vor.u32 v2, v28;
	v30 =	vand.u32 $0xFFFFFFF8, v30  }
0x147: {  	v32 =	vand.u32 $0x1F8, v31;
	v30 =	vor.u32 v8, v30  }
0x148: {  	v31 =	vand.u32 $0x7, v31;
	v29 =	vadd.s32 v32, v29  }
0x149: {  	v29 =	vor.u32 v31, v29  }
0x14a: {  	v29 =	vadd.s32 v0, v29;
	v31 =	vadd.s32 v3, v25  }
0x14b: {  	v28 =	vld.idx.msk [tilespmem:v28+s3+$0x0], $0xffff;
	[tilespmem:s24+$0x16A00] =	vst v26;
	v26 =	vand.u32 $0xFFFFFFF8, v31;
	v31 =	vadd.s32 v9, v27  }
0x14c: {  	v30 =	vld.idx.msk [tilespmem:v30+s3+$0x0], $0xffff;
	v26 =	vor.u32 v4, v26;
	v31 =	vand.u32 $0xFFFFFFF8, v31  }
0x14d: {  	v31 =	vor.u32 v10, v31  }
0x14e: {  	s26 =	simm.s32 $0x0  }
0x14f: {  	s23 =	sor.u32 s4, s26;
	v29 =	vld.idx.msk [tilespmem:v29+s10+$0x0], $0xffff  }
0x150: {  	[tilespmem:s23+$0x16900] =	vst v28;
	v28 =	vadd.s32 v5, v25  }
0x151: {  	v59 =	vld.idx.msk [tilespmem:v26+s3+$0x0], $0xffff;
	[tilespmem:s24+$0x16A80] =	vst v30;
	v26 =	vand.u32 $0xFFFFFFF8, v28;
	v28 =	vadd.s32 v11, v27  }
0x152: {  	s8 =	simm.s32 $0x30;
	v30 =	vld.idx.msk [tilespmem:v31+s3+$0x0], $0xffff;
	v31 =	vor.u32 v6, v26;
	v26 =	vand.u32 $0xFFFFFFF8, v28  }
0x153: {  	s0 =	sand.u32 $0x70, s8;
	v33 =	vor.u32 v12, v26  }
0x154: {  	v28 =	vmov s0;
	v26 =	vshll.u32 v29, $0x4  }
0x155: {  	v61 =	vadd.s32 v7, v25;
	v28 =	vmul.u32 $0xD0, v28;
	v34 =	vadd.s32 v1, v26  }
0x156: {  	s9 =	sadd.s32 $0x0, s22;
	v63 =	vadd.s32 v13, v27;
	v62 =	vand.u32 $0xFFFFFFF8, v61;
	v60 =	vand.u32 $0xFFFFFFF8, v34;
	[tilespmem:s23+$0x16980] =	vst v59  }
0x157: {  	v29 =	vmov s9;
	v28 =	vbroadcast v28, $0x0;
	v31 =	vld.idx.msk [tilespmem:v31+s3+$0x0], $0xffff;
	[tilespmem:s24+$0x16B00] =	vst v30;
	v30 =	vor.u32 v2, v60  }
0x158: {  	v32 =	vor.u32 v8, v62;
	v35 =	vand.u32 $0x1F8, v29;
	v34 =	vand.u32 $0xFFFFFFF8, v63;
	v33 =	vld.idx.msk [tilespmem:v33+s3+$0x0], $0xffff  }
0x159: {  	v29 =	vand.u32 $0x7, v29;
	v34 =	vor.u32 v14, v34;
	v28 =	vadd.s32 v35, v28  }
0x15a: {  	v28 =	vor.u32 v29, v28  }
0x15b: {  	v29 =	vadd.s32 v3, v26;
	v28 =	vadd.s32 v0, v28  }
0x15c: {  	v29 =	vand.u32 $0xFFFFFFF8, v29;
	v30 =	vld.idx.msk [tilespmem:v30+s3+$0x0], $0xffff;
	[tilespmem:s23+$0x16A00] =	vst v31;
	v31 =	vadd.s32 v9, v25  }
0x15d: {  	v36 =	vadd.s32 v15, v27;
	v29 =	vor.u32 v4, v29;
	v32 =	vld.idx.msk [tilespmem:v32+s3+$0x0], $0xffff;
	[tilespmem:s24+$0x16B80] =	vst v33;
	v31 =	vand.u32 $0xFFFFFFF8, v31  }
0x15e: {  	v33 =	vand.u32 $0xFFFFFFF8, v36;
	v34 =	vld.idx.msk [tilespmem:v34+s3+$0x0], $0xffff;
	v31 =	vor.u32 v10, v31  }
0x15f: {  	s17 =	simm.s32 $0x0;
	v33 =	vor.u32 v16, v33  }
0x160: {  	s8 =	simm.s32 $0x40;
	s25 =	sor.u32 s18, s17;
	v28 =	vld.idx.msk [tilespmem:v28+s10+$0x0], $0xffff  }
0x161: {  	s1 =	sand.u32 $0x70, s8;
	[tilespmem:s25+$0x16900] =	vst v30;
	v30 =	vadd.s32 v5, v26  }
0x162: {  	v37 =	vmov s1;
	v38 =	vadd.s32 v11, v25;
	v29 =	vld.idx.msk [tilespmem:v29+s3+$0x0], $0xffff;
	[tilespmem:s23+$0x16A80] =	vst v32;
	v30 =	vand.u32 $0xFFFFFFF8, v30  }
0x163: {  	v39 =	vadd.s32 v17, v27;
	v32 =	vand.u32 $0xFFFFFFF8, v38;
	v31 =	vld.idx.msk [tilespmem:v31+s3+$0x0], $0xffff;
	[tilespmem:s24+$0x16C00] =	vst v34;
	v30 =	vor.u32 v6, v30  }
0x164: {  	v41 =	vadd.s32 v13, v25;
	v32 =	vor.u32 v12, v32;
	v34 =	vand.u32 $0xFFFFFFF8, v39;
	v33 =	vld.idx.msk [tilespmem:v33+s3+$0x0], $0xffff  }
0x165: {  	v35 =	vmul.u32 $0xD0, v37;
	v28 =	vshll.u32 v28, $0x4;
	v34 =	vor.u32 v2, v34  }
0x166: {  	v43 =	vadd.s32 v18, v27;
	v42 =	vand.u32 $0xFFFFFFF8, v41;
	v38 =	vadd.s32 v1, v28  }
0x167: {  	s18 =	sadd.s32 $0x0, s22;
	v40 =	vadd.s32 v7, v26;
	v35 =	vbroadcast v35, $0x0;
	[tilespmem:s25+$0x16980] =	vst v29;
	v29 =	vand.u32 $0xFFFFFFF8, v38  }
0x168: {  	v36 =	vmov s18;
	v30 =	vld.idx.msk [tilespmem:v30+s3+$0x0], $0xffff;
	[tilespmem:s23+$0x16B00] =	vst v31;
	v29 =	vor.u32 v2, v29;
	v31 =	vand.u32 $0xFFFFFFF8, v40  }
0x169: {  	v37 =	vand.u32 $0x7, v36;
	v36 =	vand.u32 $0x1F8, v36;
	v32 =	vld.idx.msk [tilespmem:v32+s3+$0x0], $0xffff;
	[tilespmem:s24+$0x16C80] =	vst v33;
	v31 =	vor.u32 v8, v31  }
0x16a: {  	v44 =	vand.u32 $0xFFFFFFF8, v43;
	v35 =	vadd.s32 v36, v35;
	v33 =	vor.u32 v14, v42;
	v34 =	vld.idx.msk [tilespmem:v34+s3+$0x0], $0xffff  }
0x16b: {  	s26 =	simm.s32 $0x50;
	v36 =	vor.u32 v4, v44;
	v35 =	vor.u32 v37, v35  }
0x16c: {  	s29 =	sand.u32 $0x70, s26;
	v35 =	vadd.s32 v0, v35;
	v45 =	vadd.s32 v3, v28  }
0x16d: {  	v51 =	vmov s29;
	v46 =	vadd.s32 v9, v26;
	v29 =	vld.idx.msk [tilespmem:v29+s3+$0x0], $0xffff;
	[tilespmem:s25+$0x16A00] =	vst v30;
	v30 =	vand.u32 $0xFFFFFFF8, v45  }
0x16e: {  	v48 =	vadd.s32 v15, v25;
	v47 =	vand.u32 $0xFFFFFFF8, v46;
	v31 =	vld.idx.msk [tilespmem:v31+s3+$0x0], $0xffff;
	[tilespmem:s23+$0x16B80] =	vst v32;
	v30 =	vor.u32 v4, v30  }
0x16f: {  	v50 =	vadd.s32 v19, v27;
	v49 =	vand.u32 $0xFFFFFFF8, v48;
	v32 =	vor.u32 v10, v47;
	v33 =	vld.idx.msk [tilespmem:v33+s3+$0x0], $0xffff;
	[tilespmem:s24+$0x1A900] =	vst v34  }
0x170: {  	s8 =	simm.s32 $0x0;
	v62 =	vadd.s32 v13, v26;
	v37 =	vand.u32 $0xFFFFFFF8, v50;
	v34 =	vor.u32 v16, v49;
	v36 =	vld.idx.msk [tilespmem:v36+s3+$0x0], $0xffff  }
0x171: {  	s26 =	sor.u32 s0, s8;
	s9 =	sadd.s32 $0x0, s22;
	v48 =	vadd.s32 v15, v26;
	v63 =	vadd.s32 v18, v25;
	v37 =	vor.u32 v6, v37;
	v35 =	vld.idx.msk [tilespmem:v35+s10+$0x0], $0xffff  }
0x172: {  	v50 =	vadd.s32 v19, v25;
	v39 =	vmov s9;
	[tilespmem:s26+$0x16900] =	vst v29;
	v29 =	vadd.s32 v5, v28  }
0x173: {  	v55 =	vand.u32 $0x1F8, v39;
	v30 =	vld.idx.msk [tilespmem:v30+s3+$0x0], $0xffff;
	[tilespmem:s25+$0x16A80] =	vst v31;
	v29 =	vand.u32 $0xFFFFFFF8, v29;
	v31 =	vadd.s32 v11, v26  }
0x174: {  	v32 =	vld.idx.msk [tilespmem:v32+s3+$0x0], $0xffff;
	[tilespmem:s23+$0x16C00] =	vst v33;
	v52 =	vor.u32 v6, v29;
	v29 =	vand.u32 $0xFFFFFFF8, v31;
	v31 =	vadd.s32 v17, v25  }
0x175: {  	v34 =	vld.idx.msk [tilespmem:v34+s3+$0x0], $0xffff;
	v40 =	vor.u32 v12, v29;
	v29 =	vand.u32 $0xFFFFFFF8, v31;
	[tilespmem:s24+$0x1A980] =	vst v36;
	v31 =	vadd.s32 v20, v27  }
0x176: {  	v53 =	vor.u32 v2, v29;
	v29 =	vshll.u32 v35, $0x4;
	v54 =	vld.idx.msk [tilespmem:v37+s3+$0x0], $0xffff;
	v31 =	vand.u32 $0xFFFFFFF8, v31  }
0x177: {  	v57 =	vand.u32 $0x7, v39;
	v41 =	vadd.s32 v1, v29;
	v31 =	vor.u32 v8, v31  }
0x178: {  	v58 =	vadd.s32 v7, v28;
	v38 =	vmul.u32 $0xD0, v51;
	[tilespmem:s26+$0x16980] =	vst v30;
	v56 =	vand.u32 $0xFFFFFFF8, v41  }
0x179: {  	v60 =	vand.u32 $0xFFFFFFF8, v58;
	v58 =	vadd.s32 v11, v28;
	v33 =	vld.idx.msk [tilespmem:v52+s3+$0x0], $0xffff;
	[tilespmem:s25+$0x16B00] =	vst v32;
	v59 =	vor.u32 v2, v56  }
0x17a: {  	v38 =	vbroadcast v38, $0x0;
	v37 =	vor.u32 v8, v60;
	v61 =	vld.idx.msk [tilespmem:v40+s3+$0x0], $0xffff;
	[tilespmem:s23+$0x16C80] =	vst v34;
	v40 =	vand.u32 $0xFFFFFFF8, v62  }
0x17b: {  	v45 =	vadd.s32 v21, v27;
	v34 =	vand.u32 $0xFFFFFFF8, v63;
	v36 =	vld.idx.msk [tilespmem:v53+s3+$0x0], $0xffff;
	[tilespmem:s24+$0x1AA00] =	vst v54;
	v44 =	vor.u32 v14, v40  }
0x17c: {  	v30 =	vadd.s32 v55, v38;
	v34 =	vor.u32 v4, v34;
	v40 =	vand.u32 $0xFFFFFFF8, v45;
	v31 =	vld.idx.msk [tilespmem:v31+s3+$0x0], $0xffff  }
0x17d: {  	v46 =	vadd.s32 v3, v29;
	v30 =	vor.u32 v57, v30;
	v40 =	vor.u32 v10, v40  }
0x17e: {  	v47 =	vadd.s32 v9, v28;
	v38 =	vand.u32 $0xFFFFFFF8, v46;
	v30 =	vadd.s32 v0, v30;
	v32 =	vld.idx.msk [tilespmem:v59+s3+$0x0], $0xffff;
	[tilespmem:s26+$0x16A00] =	vst v33  }
0x17f: {  	v49 =	vand.u32 $0xFFFFFFF8, v48;
	v38 =	vor.u32 v4, v38;
	v33 =	vand.u32 $0xFFFFFFF8, v47;
	v37 =	vld.idx.msk [tilespmem:v37+s3+$0x0], $0xffff;
	[tilespmem:s25+$0x16B80] =	vst v61  }
0x180: {  	v51 =	vor.u32 v16, v49;
	v33 =	vor.u32 v10, v33;
	v35 =	vld.idx.msk [tilespmem:v44+s3+$0x0], $0xffff;
	[tilespmem:s23+$0x1A900] =	vst v36  }
0x181: {  	s31 =	simm.s32 $0x60;
	s17 =	simm.s32 $0x0;
	v46 =	vadd.s32 v17, v26;
	v52 =	vand.u32 $0xFFFFFFF8, v50;
	v34 =	vld.idx.msk [tilespmem:v34+s3+$0x0], $0xffff;
	[tilespmem:s24+$0x1AA80] =	vst v31;
	v31 =	vadd.s32 v22, v27  }
0x182: {  	s30 =	sand.u32 $0x70, s31;
	s28 =	sor.u32 s1, s17;
	v56 =	vadd.s32 v5, v29;
	v42 =	vor.u32 v6, v52;
	v43 =	vld.idx.msk [tilespmem:v40+s3+$0x0], $0xffff;
	v31 =	vand.u32 $0xFFFFFFF8, v31  }
0x183: {  	v60 =	vand.u32 $0xFFFFFFF8, v46;
	v53 =	vmov s30;
	v30 =	vld.idx.msk [tilespmem:v30+s10+$0x0], $0xffff;
	[tilespmem:s28+$0x16900] =	vst v32;
	v55 =	vor.u32 v12, v31  }
0x184: {  	v57 =	vand.u32 $0xFFFFFFF8, v56;
	v63 =	vadd.s32 v23, v27;
	v54 =	vmul.u32 $0xD0, v53;
	v45 =	vld.idx.msk [tilespmem:v38+s3+$0x0], $0xffff;
	[tilespmem:s26+$0x16A80] =	vst v37  }
0x185: {  	v46 =	vand.u32 $0xFFFFFFF8, v63;
	v59 =	vand.u32 $0xFFFFFFF8, v58;
	v40 =	vor.u32 v6, v57;
	v38 =	vld.idx.msk [tilespmem:v33+s3+$0x0], $0xffff;
	[tilespmem:s25+$0x16C00] =	vst v35  }
0x186: {  	s18 =	sadd.s32 $0x0, s22;
	v41 =	vbroadcast v54, $0x0;
	v39 =	vor.u32 v12, v59;
	v61 =	vadd.s32 v20, v25;
	v35 =	vld.idx.msk [tilespmem:v51+s3+$0x0], $0xffff;
	[tilespmem:s23+$0x1A980] =	vst v34  }
0x187: {  	v44 =	vmov s18;
	v36 =	vor.u32 v2, v60;
	v62 =	vand.u32 $0xFFFFFFF8, v61;
	v37 =	vld.idx.msk [tilespmem:v42+s3+$0x0], $0xffff;
	[tilespmem:s24+$0x1AB00] =	vst v43  }
0x188: {  	v31 =	vand.u32 $0x7, v44;
	v30 =	vshll.u32 v30, $0x4;
	v34 =	vor.u32 v8, v62;
	v33 =	vld.idx.msk [tilespmem:v55+s3+$0x0], $0xffff  }
0x189: {  	s1 =	simm.s32 $0x0;
	s4 =	simm.s32 $0x7;
	s0 =	simm.s32 $0x0;
	v32 =	vor.u32 v14, v46;
	v43 =	vand.u32 $0x1F8, v44;
	v42 =	vadd.s32 v1, v30;
	[tilespmem:s28+$0x16980] =	vst v45  }
.LBB2_10:
0x18a: {  	p0 =	sne.s32 s4, $0x7F;
	v41 =	vadd.s32 v43, v41;
	v42 =	vand.u32 $0xFFFFFFF8, v42;
	v40 =	vld.idx.msk [tilespmem:v40+s3+$0x0], $0xffff;
	v43 =	vadd.s32 v7, v29;
	[tilespmem:s26+$0x16B00] =	vst v38  }
0x18b: {  	v38 =	vor.u32 v2, v42;
	v42 =	vand.u32 $0xFFFFFFF8, v43;
	v39 =	vld.idx.msk [tilespmem:v39+s3+$0x0], $0xffff;
	v43 =	vadd.s32 v13, v28;
	[tilespmem:s25+$0x16C80] =	vst v35  }
0x18c: {  	v35 =	vor.u32 v8, v42;
	v42 =	vand.u32 $0xFFFFFFF8, v43;
	v36 =	vld.idx.msk [tilespmem:v36+s3+$0x0], $0xffff;
	v43 =	vadd.s32 v18, v26;
	[tilespmem:s23+$0x1AA00] =	vst v37  }
0x18d: {  	v37 =	vor.u32 v14, v42;
	v42 =	vand.u32 $0xFFFFFFF8, v43;
	v34 =	vld.idx.msk [tilespmem:v34+s3+$0x0], $0xffff;
	v43 =	vadd.s32 v21, v25;
	[tilespmem:s24+$0x1AB80] =	vst v33  }
0x18e: {  	v33 =	vor.u32 v4, v42;
	v42 =	vand.u32 $0xFFFFFFF8, v43;
	v32 =	vld.idx.msk [tilespmem:v32+s3+$0x0], $0xffff;
	v43 =	vadd.s32 v24, v27;
	v27 =	vmovc v25  }
0x18f: {  	v31 =	vor.u32 v31, v41;
	v25 =	vmovc v26;
	v26 =	vmovc v28;
	v41 =	vor.u32 v10, v42;
	v42 =	vand.u32 $0xFFFFFFF8, v43  }
0x190: {  	v28 =	vmov v29;
	v43 =	vadd.s32 v3, v30;
	v38 =	vld.idx.msk [tilespmem:v38+s3+$0x0], $0xffff;
	[tilespmem:s28+$0x16A00] =	vst v40;
	v40 =	vor.u32 v16, v42  }
0x191: {  	v31 =	vadd.s32 v0, v31;
	v29 =	vand.u32 $0xFFFFFFF8, v43;
	v42 =	vadd.s32 v9, v28;
	v35 =	vld.idx.msk [tilespmem:v35+s3+$0x0], $0xffff;
	[tilespmem:s26+$0x16B80] =	vst v39  }
0x192: {  	v39 =	vor.u32 v4, v29;
	v29 =	vand.u32 $0xFFFFFFF8, v42;
	v42 =	vadd.s32 v15, v26;
	v37 =	vld.idx.msk [tilespmem:v37+s3+$0x0], $0xffff;
	[tilespmem:s25+$0x1A900] =	vst v36  }
0x193: {  	s31 =	sadd.s32 $0x10, s31;
	v36 =	vor.u32 v10, v29;
	v46 =	vand.u32 $0xFFFFFFF8, v42;
	v42 =	vadd.s32 v19, v25;
	v33 =	vld.idx.msk [tilespmem:v33+s3+$0x0], $0xffff;
	[tilespmem:s23+$0x1AA80] =	vst v34  }
0x194: {  	s8 =	sshrl.u32 s4, $0x3;
	s0 =	sshll.u32 s0, $0xA;
	s9 =	sand.u32 $0x70, s31;
	v34 =	vor.u32 v16, v46;
	v45 =	vand.u32 $0xFFFFFFF8, v42;
	v42 =	vld.idx.msk [tilespmem:v41+s3+$0x0], $0xffff;
	v41 =	vadd.s32 v22, v27;
	[tilespmem:s24+$0x1AC00] =	vst v32  }
0x195: {  	s17 =	sadd.s32 s22, s8;
	s18 =	sor.u32 s29, s0;
	s0 =	smov.u32 s1;
	v32 =	vmov s9;
	v43 =	vor.u32 v6, v45;
	v29 =	vmovc v30;
	v41 =	vand.u32 $0xFFFFFFF8, v41;
	v44 =	vld.idx.msk [tilespmem:v40+s3+$0x0], $0xffff  }
0x196: {  	s1 =	smov.u32 s8;
	s29 =	smov.u32 s30;
	s30 =	smov.u32 s9;
	v45 =	vmov s17;
	v30 =	vmul.u32 $0xD0, v32;
	v32 =	vld.idx.msk [tilespmem:v31+s10+$0x0], $0xffff;
	[tilespmem:s18+$0x16900] =	vst v38;
	v46 =	vor.u32 v12, v41  }
0x197: {  	v31 =	vand.u32 $0x7, v45;
	v38 =	vadd.s32 v5, v29;
	v47 =	vld.idx.msk [tilespmem:v39+s3+$0x0], $0xffff;
	[tilespmem:s28+$0x16A80] =	vst v35  }
0x198: {  	v41 =	vbroadcast v30, $0x0;
	v30 =	vand.u32 $0xFFFFFFF8, v38;
	v35 =	vadd.s32 v11, v28;
	v38 =	vld.idx.msk [tilespmem:v36+s3+$0x0], $0xffff;
	[tilespmem:s26+$0x16C00] =	vst v37  }
.Ltmp8:
0x199: {  	v40 =	vor.u32 v6, v30;
	v30 =	vand.u32 $0xFFFFFFF8, v35;
	v35 =	vld.idx.msk [tilespmem:v34+s3+$0x0], $0xffff;
	v34 =	vadd.s32 v17, v26;
	[tilespmem:s25+$0x1A980] =	vst v33;
	(pc) =	sbr.rel @p0 .LBB2_10-.Ltmp8, $4  }
0x19a: {  	v39 =	vor.u32 v12, v30;
	v33 =	vadd.s32 v20, v25;
	v30 =	vand.u32 $0xFFFFFFF8, v34;
	v37 =	vld.idx.msk [tilespmem:v43+s3+$0x0], $0xffff;
	[tilespmem:s23+$0x1AB00] =	vst v42  }
0x19b: {  	v34 =	vand.u32 $0xFFFFFFF8, v33;
	v42 =	vadd.s32 v23, v27;
	v36 =	vor.u32 v2, v30;
	v33 =	vld.idx.msk [tilespmem:v46+s3+$0x0], $0xffff;
	[tilespmem:s24+$0x1AC80] =	vst v44;
	s24 =	smov.u32 s23;
	s23 =	smov.u32 s25;
	s25 =	smov.u32 s26  }
0x19c: {  	v30 =	vshll.u32 v32, $0x4;
	v34 =	vor.u32 v8, v34;
	v32 =	vand.u32 $0xFFFFFFF8, v42;
	s26 =	smov.u32 s28;
	s28 =	smov.u32 s18  }
0x19d: {  	s4 =	sadd.s32 $0x1, s4;
	v43 =	vand.u32 $0x1F8, v45;
	v42 =	vadd.s32 v1, v30;
	v32 =	vor.u32 v14, v32;
	[tilespmem:s28+$0x16980] =	vst v47  }
0x19e: {  	v41 =	vadd.s32 v43, v41  }
0x19f: {  	v31 =	vor.u32 v31, v41  }
0x1a0: {  	v31 =	vadd.s32 v0, v31;
	_ =	sdelay $0x4  }
0x1a1: {  	v31 =	vld.idx.msk [tilespmem:v31+s10+$0x0], $0xffff;
	_ =	sdelay $0x4  }
0x1a2: {  	v31 =	vshll.u32 v31, $0x4  }
0x1a3: {  	v59 =	vand.u32 $0xFFFFFFF8, v42;
	v60 =	vadd.s32 v1, v31  }
0x1a4: {  	v41 =	vor.u32 v2, v59;
	v42 =	vand.u32 $0xFFFFFFF8, v60  }
0x1a5: {  	v42 =	vor.u32 v2, v42;
	_ =	sdelay $0x2  }
0x1a6: {  	v61 =	vadd.s32 v3, v30  }
0x1a7: {  	v43 =	vand.u32 $0xFFFFFFF8, v61;
	v41 =	vld.idx.msk [tilespmem:v41+s3+$0x0], $0xffff;
	v44 =	vadd.s32 v3, v31  }
0x1a8: {  	v43 =	vor.u32 v4, v43;
	v44 =	vand.u32 $0xFFFFFFF8, v44;
	v42 =	vld.idx.msk [tilespmem:v42+s3+$0x0], $0xffff  }
0x1a9: {  	v44 =	vor.u32 v4, v44  }
0x1aa: {  	s0 =	sshll.u32 s0, $0xA  }
0x1ab: {  	s18 =	sshll.u32 s1, $0xA;
	s29 =	sor.u32 s29, s0  }
0x1ac: {  	v62 =	vadd.s32 v5, v30;
	s30 =	sor.u32 s30, s18;
	[tilespmem:s29+$0x16900] =	vst v41  }
0x1ad: {  	v41 =	vand.u32 $0xFFFFFFF8, v62;
	v43 =	vld.idx.msk [tilespmem:v43+s3+$0x0], $0xffff;
	v63 =	vadd.s32 v5, v31;
	[tilespmem:s30+$0x16900] =	vst v42  }
0x1ae: {  	v41 =	vor.u32 v6, v41;
	v42 =	vand.u32 $0xFFFFFFF8, v63;
	v44 =	vld.idx.msk [tilespmem:v44+s3+$0x0], $0xffff  }
0x1af: {  	v42 =	vor.u32 v6, v42;
	_ =	sdelay $0x1  }
0x1b0: {  	v45 =	vadd.s32 v7, v29  }
0x1b1: {  	v40 =	vld.idx.msk [tilespmem:v40+s3+$0x0], $0xffff;
	v48 =	vadd.s32 v7, v30;
	v45 =	vand.u32 $0xFFFFFFF8, v45;
	[tilespmem:s29+$0x16980] =	vst v43  }
0x1b2: {  	v45 =	vor.u32 v8, v45;
	v49 =	vadd.s32 v7, v31;
	v43 =	vand.u32 $0xFFFFFFF8, v48;
	v41 =	vld.idx.msk [tilespmem:v41+s3+$0x0], $0xffff;
	[tilespmem:s30+$0x16980] =	vst v44  }
0x1b3: {  	v43 =	vor.u32 v8, v43;
	v44 =	vand.u32 $0xFFFFFFF8, v49;
	v42 =	vld.idx.msk [tilespmem:v42+s3+$0x0], $0xffff  }
0x1b4: {  	v44 =	vor.u32 v8, v44;
	_ =	sdelay $0x1  }
0x1b5: {  	v50 =	vadd.s32 v9, v29;
	[tilespmem:s28+$0x16A00] =	vst v40  }
0x1b6: {  	v51 =	vadd.s32 v9, v30;
	v40 =	vand.u32 $0xFFFFFFF8, v50;
	v45 =	vld.idx.msk [tilespmem:v45+s3+$0x0], $0xffff;
	[tilespmem:s29+$0x16A00] =	vst v41  }
0x1b7: {  	v40 =	vor.u32 v10, v40;
	v52 =	vadd.s32 v9, v31;
	v41 =	vand.u32 $0xFFFFFFF8, v51;
	v43 =	vld.idx.msk [tilespmem:v43+s3+$0x0], $0xffff;
	[tilespmem:s30+$0x16A00] =	vst v42  }
0x1b8: {  	v41 =	vor.u32 v10, v41;
	v42 =	vand.u32 $0xFFFFFFF8, v52;
	v44 =	vld.idx.msk [tilespmem:v44+s3+$0x0], $0xffff  }
0x1b9: {  	v42 =	vor.u32 v10, v42;
	_ =	sdelay $0x1  }
0x1ba: {  	v53 =	vadd.s32 v11, v29;
	[tilespmem:s28+$0x16A80] =	vst v45  }
0x1bb: {  	v54 =	vadd.s32 v11, v30;
	v45 =	vand.u32 $0xFFFFFFF8, v53;
	v40 =	vld.idx.msk [tilespmem:v40+s3+$0x0], $0xffff;
	[tilespmem:s29+$0x16A80] =	vst v43  }
0x1bc: {  	v45 =	vor.u32 v12, v45;
	v55 =	vadd.s32 v11, v31;
	v43 =	vand.u32 $0xFFFFFFF8, v54;
	v41 =	vld.idx.msk [tilespmem:v41+s3+$0x0], $0xffff;
	[tilespmem:s30+$0x16A80] =	vst v44  }
0x1bd: {  	v43 =	vor.u32 v12, v43;
	v44 =	vand.u32 $0xFFFFFFF8, v55;
	v42 =	vld.idx.msk [tilespmem:v42+s3+$0x0], $0xffff  }
0x1be: {  	v44 =	vor.u32 v12, v44  }
0x1bf: {  	[tilespmem:s26+$0x16B00] =	vst v38;
	v56 =	vadd.s32 v13, v28  }
0x1c0: {  	v57 =	vadd.s32 v13, v29;
	v39 =	vld.idx.msk [tilespmem:v39+s3+$0x0], $0xffff;
	v38 =	vand.u32 $0xFFFFFFF8, v56;
	[tilespmem:s28+$0x16B00] =	vst v40  }
0x1c1: {  	v58 =	vadd.s32 v13, v30;
	v38 =	vor.u32 v14, v38;
	v40 =	vand.u32 $0xFFFFFFF8, v57;
	v45 =	vld.idx.msk [tilespmem:v45+s3+$0x0], $0xffff;
	[tilespmem:s29+$0x16B00] =	vst v41  }
0x1c2: {  	v59 =	vadd.s32 v13, v31;
	v40 =	vor.u32 v14, v40;
	v41 =	vand.u32 $0xFFFFFFF8, v58;
	v43 =	vld.idx.msk [tilespmem:v43+s3+$0x0], $0xffff;
	[tilespmem:s30+$0x16B00] =	vst v42  }
0x1c3: {  	v41 =	vor.u32 v14, v41;
	v42 =	vand.u32 $0xFFFFFFF8, v59;
	v44 =	vld.idx.msk [tilespmem:v44+s3+$0x0], $0xffff  }
0x1c4: {  	v42 =	vor.u32 v14, v42  }
0x1c5: {  	[tilespmem:s26+$0x16B80] =	vst v39;
	v60 =	vadd.s32 v15, v28  }
0x1c6: {  	v61 =	vadd.s32 v15, v29;
	v38 =	vld.idx.msk [tilespmem:v38+s3+$0x0], $0xffff;
	v39 =	vand.u32 $0xFFFFFFF8, v60;
	[tilespmem:s28+$0x16B80] =	vst v45  }
0x1c7: {  	v62 =	vadd.s32 v15, v30;
	v39 =	vor.u32 v16, v39;
	v45 =	vand.u32 $0xFFFFFFF8, v61;
	v40 =	vld.idx.msk [tilespmem:v40+s3+$0x0], $0xffff;
	[tilespmem:s29+$0x16B80] =	vst v43  }
0x1c8: {  	v45 =	vor.u32 v16, v45;
	v63 =	vadd.s32 v15, v31;
	v43 =	vand.u32 $0xFFFFFFF8, v62;
	v41 =	vld.idx.msk [tilespmem:v41+s3+$0x0], $0xffff;
	[tilespmem:s30+$0x16B80] =	vst v44  }
0x1c9: {  	v43 =	vor.u32 v16, v43;
	v44 =	vand.u32 $0xFFFFFFF8, v63;
	v42 =	vld.idx.msk [tilespmem:v42+s3+$0x0], $0xffff  }
0x1ca: {  	v44 =	vor.u32 v16, v44  }
0x1cb: {  	[tilespmem:s26+$0x16C00] =	vst v38;
	v48 =	vadd.s32 v17, v28  }
0x1cc: {  	v38 =	vand.u32 $0xFFFFFFF8, v48;
	v39 =	vld.idx.msk [tilespmem:v39+s3+$0x0], $0xffff;
	[tilespmem:s28+$0x16C00] =	vst v40;
	v49 =	vadd.s32 v17, v29  }
0x1cd: {  	v50 =	vadd.s32 v17, v30;
	v38 =	vor.u32 v2, v38;
	v45 =	vld.idx.msk [tilespmem:v45+s3+$0x0], $0xffff;
	v40 =	vand.u32 $0xFFFFFFF8, v49;
	[tilespmem:s29+$0x16C00] =	vst v41  }
0x1ce: {  	v51 =	vadd.s32 v17, v31;
	v40 =	vor.u32 v2, v40;
	v41 =	vand.u32 $0xFFFFFFF8, v50;
	v43 =	vld.idx.msk [tilespmem:v43+s3+$0x0], $0xffff;
	[tilespmem:s30+$0x16C00] =	vst v42  }
0x1cf: {  	[tilespmem:s25+$0x16C80] =	vst v35;
	v52 =	vor.u32 v2, v41;
	v42 =	vand.u32 $0xFFFFFFF8, v51;
	v53 =	vld.idx.msk [tilespmem:v44+s3+$0x0], $0xffff  }
0x1d0: {  	[tilespmem:s23+$0x1AA00] =	vst v37;
	v54 =	vadd.s32 v18, v26;
	v42 =	vor.u32 v2, v42  }
0x1d1: {  	v36 =	vld.idx.msk [tilespmem:v36+s3+$0x0], $0xffff;
	[tilespmem:s26+$0x16C80] =	vst v39;
	v37 =	vand.u32 $0xFFFFFFF8, v54;
	v55 =	vadd.s32 v18, v28  }
0x1d2: {  	v56 =	vadd.s32 v18, v29;
	v38 =	vld.idx.msk [tilespmem:v38+s3+$0x0], $0xffff;
	v37 =	vor.u32 v4, v37;
	[tilespmem:s28+$0x16C80] =	vst v45;
	v39 =	vand.u32 $0xFFFFFFF8, v55  }
0x1d3: {  	v57 =	vadd.s32 v18, v30;
	v40 =	vld.idx.msk [tilespmem:v40+s3+$0x0], $0xffff;
	v39 =	vor.u32 v4, v39;
	[tilespmem:s29+$0x16C80] =	vst v43;
	v44 =	vand.u32 $0xFFFFFFF8, v56  }
0x1d4: {  	v58 =	vadd.s32 v18, v31;
	v43 =	vand.u32 $0xFFFFFFF8, v57;
	v35 =	vld.idx.msk [tilespmem:v52+s3+$0x0], $0xffff;
	v44 =	vor.u32 v4, v44;
	[tilespmem:s30+$0x16C80] =	vst v53  }
0x1d5: {  	[tilespmem:s24+$0x1AB80] =	vst v33;
	v41 =	vand.u32 $0xFFFFFFF8, v58;
	v59 =	vor.u32 v4, v43;
	v42 =	vld.idx.msk [tilespmem:v42+s3+$0x0], $0xffff  }
0x1d6: {  	v34 =	vld.idx.msk [tilespmem:v34+s3+$0x0], $0xffff;
	[tilespmem:s25+$0x1A900] =	vst v36;
	v60 =	vadd.s32 v19, v26;
	v41 =	vor.u32 v4, v41  }
0x1d7: {  	v36 =	vand.u32 $0xFFFFFFF8, v60;
	v61 =	vadd.s32 v19, v28;
	[tilespmem:s26+$0x1A900] =	vst v38;
	v37 =	vld.idx.msk [tilespmem:v37+s3+$0x0], $0xffff  }
0x1d8: {  	v36 =	vor.u32 v6, v36;
	v38 =	vand.u32 $0xFFFFFFF8, v61;
	v62 =	vadd.s32 v19, v29;
	[tilespmem:s28+$0x1A900] =	vst v40;
	v39 =	vld.idx.msk [tilespmem:v39+s3+$0x0], $0xffff  }
0x1d9: {  	v38 =	vor.u32 v6, v38;
	v40 =	vand.u32 $0xFFFFFFF8, v62;
	[tilespmem:s29+$0x1A900] =	vst v35;
	v63 =	vld.idx.msk [tilespmem:v44+s3+$0x0], $0xffff;
	v44 =	vadd.s32 v19, v30  }
0x1da: {  	v45 =	vadd.s32 v19, v31;
	v40 =	vor.u32 v6, v40;
	v33 =	vld.idx.msk [tilespmem:v59+s3+$0x0], $0xffff;
	v35 =	vand.u32 $0xFFFFFFF8, v44;
	[tilespmem:s30+$0x1A900] =	vst v42  }
0x1db: {  	v46 =	vadd.s32 v21, v25;
	[tilespmem:s23+$0x1AA80] =	vst v34;
	v35 =	vor.u32 v6, v35;
	v42 =	vand.u32 $0xFFFFFFF8, v45;
	v41 =	vld.idx.msk [tilespmem:v41+s3+$0x0], $0xffff  }
0x1dc: {  	v47 =	vadd.s32 v20, v26;
	v32 =	vld.idx.msk [tilespmem:v32+s3+$0x0], $0xffff;
	v34 =	vand.u32 $0xFFFFFFF8, v46;
	[tilespmem:s25+$0x1A980] =	vst v37;
	v42 =	vor.u32 v6, v42  }
0x1dd: {  	v34 =	vor.u32 v10, v34;
	v48 =	vadd.s32 v20, v28;
	v37 =	vand.u32 $0xFFFFFFF8, v47;
	v36 =	vld.idx.msk [tilespmem:v36+s3+$0x0], $0xffff;
	[tilespmem:s26+$0x1A980] =	vst v39  }
0x1de: {  	v49 =	vadd.s32 v20, v29;
	v37 =	vor.u32 v8, v37;
	v39 =	vand.u32 $0xFFFFFFF8, v48;
	v38 =	vld.idx.msk [tilespmem:v38+s3+$0x0], $0xffff;
	[tilespmem:s28+$0x1A980] =	vst v63  }
0x1df: {  	v50 =	vadd.s32 v20, v30;
	v43 =	vand.u32 $0xFFFFFFF8, v49;
	v39 =	vor.u32 v8, v39;
	[tilespmem:s29+$0x1A980] =	vst v33;
	v40 =	vld.idx.msk [tilespmem:v40+s3+$0x0], $0xffff  }
0x1e0: {  	v43 =	vor.u32 v8, v43;
	v51 =	vadd.s32 v20, v31;
	v33 =	vand.u32 $0xFFFFFFF8, v50;
	v35 =	vld.idx.msk [tilespmem:v35+s3+$0x0], $0xffff;
	[tilespmem:s30+$0x1A980] =	vst v41  }
0x1e1: {  	v27 =	vadd.s32 v24, v27;
	[tilespmem:s24+$0x1AC00] =	vst v32;
	v52 =	vor.u32 v8, v33;
	v41 =	vand.u32 $0xFFFFFFF8, v51;
	v53 =	vld.idx.msk [tilespmem:v42+s3+$0x0], $0xffff  }
0x1e2: {  	v27 =	vand.u32 $0xFFFFFFF8, v27;
	v34 =	vld.idx.msk [tilespmem:v34+s3+$0x0], $0xffff;
	v54 =	vadd.s32 v21, v26;
	[tilespmem:s25+$0x1AA00] =	vst v36;
	v41 =	vor.u32 v8, v41  }
0x1e3: {  	v27 =	vor.u32 v16, v27;
	v55 =	vadd.s32 v21, v28;
	v36 =	vand.u32 $0xFFFFFFF8, v54;
	v37 =	vld.idx.msk [tilespmem:v37+s3+$0x0], $0xffff;
	[tilespmem:s26+$0x1AA00] =	vst v38  }
0x1e4: {  	v36 =	vor.u32 v10, v36;
	v38 =	vand.u32 $0xFFFFFFF8, v55;
	v39 =	vld.idx.msk [tilespmem:v39+s3+$0x0], $0xffff;
	v56 =	vadd.s32 v21, v29;
	[tilespmem:s28+$0x1AA00] =	vst v40  }
0x1e5: {  	v58 =	vadd.s32 v21, v30;
	v38 =	vor.u32 v10, v38;
	v40 =	vand.u32 $0xFFFFFFF8, v56;
	v57 =	vld.idx.msk [tilespmem:v43+s3+$0x0], $0xffff;
	[tilespmem:s29+$0x1AA00] =	vst v35  }
0x1e6: {  	v59 =	vadd.s32 v21, v31;
	v40 =	vor.u32 v10, v40;
	v35 =	vand.u32 $0xFFFFFFF8, v58;
	v32 =	vld.idx.msk [tilespmem:v52+s3+$0x0], $0xffff;
	[tilespmem:s30+$0x1AA00] =	vst v53  }
0x1e7: {  	v60 =	vadd.s32 v22, v25;
	[tilespmem:s23+$0x1AB00] =	vst v34;
	v33 =	vand.u32 $0xFFFFFFF8, v59;
	v61 =	vor.u32 v10, v35;
	v62 =	vld.idx.msk [tilespmem:v41+s3+$0x0], $0xffff  }
0x1e8: {  	v27 =	vld.idx.msk [tilespmem:v27+s3+$0x0], $0xffff;
	[tilespmem:s25+$0x1AA80] =	vst v37;
	v33 =	vor.u32 v10, v33;
	v44 =	vadd.s32 v22, v26;
	v63 =	vand.u32 $0xFFFFFFF8, v60  }
0x1e9: {  	v36 =	vld.idx.msk [tilespmem:v36+s3+$0x0], $0xffff;
	[tilespmem:s26+$0x1AA80] =	vst v39;
	v37 =	vand.u32 $0xFFFFFFF8, v44;
	v45 =	vadd.s32 v22, v28;
	v41 =	vor.u32 v12, v63  }
0x1ea: {  	v46 =	vadd.s32 v22, v29;
	v38 =	vld.idx.msk [tilespmem:v38+s3+$0x0], $0xffff;
	v37 =	vor.u32 v12, v37;
	v39 =	vand.u32 $0xFFFFFFF8, v45;
	[tilespmem:s28+$0x1AA80] =	vst v57  }
0x1eb: {  	v47 =	vadd.s32 v22, v30;
	v39 =	vor.u32 v12, v39;
	v42 =	vand.u32 $0xFFFFFFF8, v46;
	v40 =	vld.idx.msk [tilespmem:v40+s3+$0x0], $0xffff;
	[tilespmem:s29+$0x1AA80] =	vst v32  }
0x1ec: {  	v48 =	vadd.s32 v22, v31;
	v42 =	vor.u32 v12, v42;
	v32 =	vand.u32 $0xFFFFFFF8, v47;
	v34 =	vld.idx.msk [tilespmem:v61+s3+$0x0], $0xffff;
	[tilespmem:s30+$0x1AA80] =	vst v62  }
0x1ed: {  	[tilespmem:s24+$0x1AC80] =	vst v27;
	v49 =	vadd.s32 v23, v25;
	v51 =	vand.u32 $0xFFFFFFF8, v48;
	v27 =	vor.u32 v12, v32;
	v50 =	vld.idx.msk [tilespmem:v33+s3+$0x0], $0xffff  }
0x1ee: {  	v54 =	vadd.s32 v23, v26;
	[tilespmem:s25+$0x1AB00] =	vst v36;
	v53 =	vand.u32 $0xFFFFFFF8, v49;
	v52 =	vld.idx.msk [tilespmem:v41+s3+$0x0], $0xffff;
	v33 =	vor.u32 v12, v51  }
0x1ef: {  	v36 =	vand.u32 $0xFFFFFFF8, v54;
	v55 =	vadd.s32 v23, v28;
	[tilespmem:s26+$0x1AB00] =	vst v38;
	v37 =	vld.idx.msk [tilespmem:v37+s3+$0x0], $0xffff;
	v41 =	vor.u32 v14, v53  }
0x1f0: {  	v36 =	vor.u32 v14, v36;
	v38 =	vand.u32 $0xFFFFFFF8, v55;
	v56 =	vadd.s32 v23, v29;
	v39 =	vld.idx.msk [tilespmem:v39+s3+$0x0], $0xffff;
	[tilespmem:s28+$0x1AB00] =	vst v40  }
0x1f1: {  	v38 =	vor.u32 v14, v38;
	v57 =	vadd.s32 v23, v30;
	v40 =	vand.u32 $0xFFFFFFF8, v56;
	v42 =	vld.idx.msk [tilespmem:v42+s3+$0x0], $0xffff;
	[tilespmem:s29+$0x1AB00] =	vst v34  }
0x1f2: {  	v58 =	vadd.s32 v23, v31;
	v40 =	vor.u32 v14, v40;
	v34 =	vand.u32 $0xFFFFFFF8, v57;
	v27 =	vld.idx.msk [tilespmem:v27+s3+$0x0], $0xffff;
	[tilespmem:s30+$0x1AB00] =	vst v50  }
0x1f3: {  	v25 =	vadd.s32 v24, v25;
	v32 =	vand.u32 $0xFFFFFFF8, v58;
	v34 =	vor.u32 v14, v34;
	[tilespmem:s23+$0x1AB80] =	vst v52;
	v33 =	vld.idx.msk [tilespmem:v33+s3+$0x0], $0xffff  }
0x1f4: {  	v25 =	vand.u32 $0xFFFFFFF8, v25;
	v26 =	vadd.s32 v24, v26;
	[tilespmem:s25+$0x1AB80] =	vst v37;
	v32 =	vor.u32 v14, v32;
	v35 =	vld.idx.msk [tilespmem:v41+s3+$0x0], $0xffff  }
0x1f5: {  	v25 =	vor.u32 v16, v25;
	v59 =	vadd.s32 v24, v28;
	v26 =	vand.u32 $0xFFFFFFF8, v26;
	v36 =	vld.idx.msk [tilespmem:v36+s3+$0x0], $0xffff;
	[tilespmem:s26+$0x1AB80] =	vst v39  }
0x1f6: {  	v26 =	vor.u32 v16, v26;
	v28 =	vand.u32 $0xFFFFFFF8, v59;
	v60 =	vld.idx.msk [tilespmem:v38+s3+$0x0], $0xffff;
	v61 =	vadd.s32 v24, v29;
	[tilespmem:s28+$0x1AB80] =	vst v42  }
0x1f7: {  	v28 =	vor.u32 v16, v28;
	v29 =	vand.u32 $0xFFFFFFF8, v61;
	v62 =	vld.idx.msk [tilespmem:v40+s3+$0x0], $0xffff;
	[tilespmem:s29+$0x1AB80] =	vst v27;
	v27 =	vadd.s32 v24, v30  }
0x1f8: {  	v31 =	vadd.s32 v24, v31;
	v29 =	vor.u32 v16, v29;
	v63 =	vld.idx.msk [tilespmem:v34+s3+$0x0], $0xffff;
	v27 =	vand.u32 $0xFFFFFFF8, v27;
	[tilespmem:s30+$0x1AB80] =	vst v33  }
0x1f9: {  	v31 =	vand.u32 $0xFFFFFFF8, v31;
	v27 =	vor.u32 v16, v27;
	[tilespmem:s23+$0x1AC00] =	vst v35;
	v32 =	vld.idx.msk [tilespmem:v32+s3+$0x0], $0xffff  }
0x1fa: {  	v31 =	vor.u32 v16, v31;
	[tilespmem:s25+$0x1AC00] =	vst v36;
	v25 =	vld.idx.msk [tilespmem:v25+s3+$0x0], $0xffff  }
0x1fb: {  	v26 =	vld.idx.msk [tilespmem:v26+s3+$0x0], $0xffff;
	[tilespmem:s26+$0x1AC00] =	vst v60  }
0x1fc: {  	v28 =	vld.idx.msk [tilespmem:v28+s3+$0x0], $0xffff;
	[tilespmem:s28+$0x1AC00] =	vst v62  }
0x1fd: {  	v29 =	vld.idx.msk [tilespmem:v29+s3+$0x0], $0xffff;
	[tilespmem:s29+$0x1AC00] =	vst v63  }
0x1fe: {  	v27 =	vld.idx.msk [tilespmem:v27+s3+$0x0], $0xffff;
	[tilespmem:s30+$0x1AC00] =	vst v32  }
0x1ff: {  	[tilespmem:s23+$0x1AC80] =	vst v25;
	v25 =	vld.idx.msk [tilespmem:v31+s3+$0x0], $0xffff  }
0x200: {  	[tilespmem:s25+$0x1AC80] =	vst v26  }
0x201: {  	[tilespmem:s26+$0x1AC80] =	vst v28;
	s26 =	sshll.u32 s22, $0x10  }
0x202: {  	s31 =	sor.u32 s5, s26;
	[tilespmem:s28+$0x1AC80] =	vst v29  }
.Ltmp9:
0x203: {  	s0 =	sor.u32 s7, s26;
	s1 =	sshrl.u32 s31, $0x3;
	[tilespmem:s29+$0x1AC80] =	vst v27;
	(pc) =	sbr.rel .LBB2_12-.Ltmp9, $4  }
0x204: {  	s0 =	sshrl.u32 s0, $0x3;
	s1 =	sadd.s32 s2, s1;
	[tilespmem:s30+$0x1AC80] =	vst v25  }
0x205: {  	[hbm4b:s1+s11] =	stream.strided.scatter [tilespmem:s15], [sflag:$0x2], $0x4000, s12, s11, $0x38;
	[tilespmem:$0x1E900] =	vst v63  }
0x206: {  	s0 =	sadd.s32 s2, s0  }
0x207: {  	[hbm4b:s0+s11] =	stream.strided.scatter [tilespmem:s16], [sflag:$0x2], $0x4000, s12, s11, $0x38;
	[tilespmem:$0x1E900] =	vst v63  }
.LBB2_14:
0x208: {  	_ =	sfence.sel $0x180000  }
0x209: {  	[bflag:$0x0] =	sbarrier.arrive $0xFFFF  }
0x20a: {  	_ =	strace $0x90000047  }
0x20b: {  	s0 =	stileid.u32;
	[bflag:$0x2] =	sbarrier.arrive $0xFFFF  }
0x20c: {  	p0 =	sne.s32 s0, $0x0;
	s0 =	rddreg [dreg:$0x2]  }
0x20d: {  	s0 =	sadd.s32 @!p0 $0x100000, s0  }
0x20e: {  	[sflag:s0] =	ssyncadd.tile.s32 @!p0 $0x1;
	_ =	shalt  }
.Lfunc_end2:
_tile_overlayer_lowered:
.L_overlay_start_2:
0x20f: {  	(tag) =	ssettag $0x2  }
0x210: {  	s0 =	rddreg [dreg:$0x0];
	s2 =	stileid.u32  }
0x211: {  	s1 =	rddreg [dreg:$0x1];
	p0 =	sne.s32 s2, $0x0  }
0x212: {  	s3 =	rddreg [dreg:$0x2];
	[bflag:$0x3] =	sbarrier.arrive $0xFFFF;
	s2 =	simm.s32 @!p0 $0x1C03  }
0x213: {  	[timem:s3], [sflag:s2] =	dma.local @!p0 [hbm:s0], s1  }
0x214: {  	s0 =	simm.s32 @!p0 $0x3  }
0x215: {  	_ =	swait.ge @!p0 [sflag:s0], s1  }
0x216: {  	s1 =	ssub.s32 @!p0 $0x0, s1;
	[sflag:s0] =	ssyncset.done @!p0 $0x0  }
0x217: {  	[sflag:s0] =	ssyncadd.s32 @!p0 s1  }
0x218: {  	[bflag:$0x3] =	sbarrier.arrive $0xFFFF  }
0x219: {  	_ =	shalt  }

</sc_bundles>
